<compile_context>
chip_gen: v7x
topology: tpu7x:2x2x1
jax: 0.10.2.dev20260603
libtpu: 0.0.44.dev20260713+nightly
codegen_flags: <defaults>
</compile_context>

<pallas_src>
import functools

import jax
import jax.numpy as jnp
from jax import lax
from jax.experimental import pallas as pl
from jax.experimental.pallas import tpu as pltpu
from jax.experimental.pallas import tpu_sc as plsc

NC = 2
NS = 16
NW = NC * NS
L = 16

C = 8192
PAD = 16
CU_T = 528


@functools.lru_cache(maxsize=None)
def _build(n, n_rays):
    rpw = n_rays // NW
    mesh = plsc.VectorSubcoreMesh(core_axis_name="c", subcore_axis_name="s",
                                  num_cores=NC, num_subcores=NS)

    @functools.partial(
        pl.kernel,
        mesh=mesh,
        compiler_params=pltpu.CompilerParams(needs_layout_passes=False),
        out_type=[
            jax.ShapeDtypeStruct((n_rays,), jnp.float32),
            jax.ShapeDtypeStruct((n_rays,), jnp.float32),
            jax.ShapeDtypeStruct((3 * n_rays,), jnp.float32),
        ],
        scratch_types=[
            pltpu.VMEM((2 * C,), jnp.float32),
            pltpu.VMEM((2 * C,), jnp.float32),
            pltpu.VMEM((2 * (C + PAD),), jnp.float32),
            pltpu.VMEM((2 * (C + PAD),), jnp.float32),
            pltpu.VMEM((2 * (C + PAD),), jnp.float32),
            pltpu.VMEM((C + PAD,), jnp.float32),
            pltpu.VMEM((C + PAD,), jnp.float32),
            pltpu.VMEM((CU_T,), jnp.int32),
            pltpu.VMEM((rpw,), jnp.float32),
            pltpu.VMEM((rpw,), jnp.float32),
            pltpu.VMEM((3 * rpw,), jnp.float32),
            pltpu.SemaphoreType.DMA,
            pltpu.SemaphoreType.DMA,
        ],
    )
    def k(dt_h, dens_h, r_h, g_h, b_h, cu_h, ws_h, bg_h, rgbo_h,
          dtb, dnb, rb, gb, bb, albuf, pbuf, cuv, ows, obg, orgb,
          semA, semB):
        wid = lax.axis_index("s") * NC + lax.axis_index("c")
        r0 = pl.multiple_of(wid * rpw, 8)
        pltpu.sync_copy(cu_h.at[pl.ds(r0, CU_T)], cuv)
        iota = lax.iota(jnp.int32, L)
        lane0 = iota == 0
        fz = jnp.zeros((L,), jnp.float32)
        zero = jnp.float32(0.0)

        def sread(ref, i):
            return plsc.load_gather(ref, [jnp.full((L,), i, jnp.int32)])[0]

        def issue(b, row):
            oc = pl.multiple_of(row * C, 8)
            op = pl.multiple_of(row * (C + PAD), 8)
            pltpu.async_copy(dt_h.at[pl.ds(b, C)], dtb.at[pl.ds(oc, C)],
                             semA)
            pltpu.async_copy(dens_h.at[pl.ds(b, C)], dnb.at[pl.ds(oc, C)],
                             semA)
            pltpu.async_copy(r_h.at[pl.ds(b, C)], rb.at[pl.ds(op, C)], semB)
            pltpu.async_copy(g_h.at[pl.ds(b, C)], gb.at[pl.ds(op, C)], semB)
            pltpu.async_copy(b_h.at[pl.ds(b, C)], bb.at[pl.ds(op, C)], semB)

        def drain():
            pltpu.make_async_copy(dt_h.at[pl.ds(0, C)],
                                  dtb.at[pl.ds(0, C)], semA).wait()
            pltpu.make_async_copy(dt_h.at[pl.ds(0, C)],
                                  dnb.at[pl.ds(0, C)], semA).wait()
            pltpu.make_async_copy(r_h.at[pl.ds(0, C)],
                                  rb.at[pl.ds(0, C)], semB).wait()
            pltpu.make_async_copy(r_h.at[pl.ds(0, C)],
                                  gb.at[pl.ds(0, C)], semB).wait()
            pltpu.make_async_copy(r_h.at[pl.ds(0, C)],
                                  bb.at[pl.ds(0, C)], semB).wait()

        def window_body(st):
            p, r, e_next, carry, par, accw, accr, accg, accb = st
            base = pl.multiple_of(
                jnp.minimum(p & ~jnp.int32(7), jnp.int32(n - C)), 8)
            wend = base + jnp.int32(C)
            drain()
            bnext = pl.multiple_of(
                jnp.minimum(wend, jnp.int32(n - C)), 8)
            issue(bnext, 1 - par)
            oc = pl.multiple_of(par * C, 8)
            opv = jnp.full((L,), par * (C + PAD), jnp.int32)

            @plsc.parallel_loop(0, C, step=L, unroll=8, carry=zero)
            def wc_end(off, wc):
                dtv = dtb[pl.ds(oc + off, L)]
                dnv = dnb[pl.ds(oc + off, L)]
                tv = dtv * dnv
                en = jnp.exp(-tv)
                albuf[pl.ds(off, L)] = 1.0 - en
                lx = jnp.float32(1e-7) * jnp.exp(tv) - tv
                inc = plsc.cumsum(lx)
                pbuf[pl.ds(off, L)] = (wc - lx) + inc
                return wc + inc[L - 1]
            plsc.store_scatter(pbuf, [jnp.full((L,), C, jnp.int32)],
                               jnp.full((L,), wc_end), mask=lane0)

            def seg_cond(sst):
                sp, sr, se = sst[0], sst[1], sst[2]
                return (sr < rpw) & ((sp < wend) | (se <= sp))

            def seg_body(sst):
                sp, sr, se, scarry, saw, sar, sag, sab = sst
                seg_end = jnp.minimum(se, wend)
                nsteps = (seg_end - sp + jnp.int32(L - 1)) // jnp.int32(L)
                cbase = scarry - sread(pbuf, sp - base)
                cb = jnp.full((L,), cbase, jnp.float32)

                loff = sp - base
                loffp = loff + par * (C + PAD)
                send = seg_end - sp

                @plsc.parallel_loop(0, nsteps * L, step=L, unroll=2,
                                    carry=(saw, sar, sag, sab))
                def accs(t, a):
                    taw, tar, tag, tab = a
                    valid = (t + iota) < send
                    pv = pbuf[pl.ds(loff + t, L)]
                    av = albuf[pl.ds(loff + t, L)]
                    w = jnp.where(valid, av * jnp.exp(cb + pv), zero)
                    rv = rb[pl.ds(loffp + t, L)]
                    gv = gb[pl.ds(loffp + t, L)]
                    bv = bb[pl.ds(loffp + t, L)]
                    return (taw + w, tar + rv * w, tag + gv * w,
                            tab + bv * w)

                saw, sar, sag, sab = accs
                scarry2 = cbase + sread(pbuf, seg_end - base)
                done = seg_end == se

                @pl.when(done)
                def _finalize():
                    rloc = jnp.full((L,), sr, jnp.int32)
                    plsc.store_scatter(ows, [rloc],
                                       jnp.full((L,), jnp.sum(saw)),
                                       mask=lane0)
                    plsc.store_scatter(obg, [rloc],
                                       jnp.exp(jnp.full((L,), scarry2)),
                                       mask=lane0)
                    rgbvals = jnp.where(
                        iota == 0, jnp.sum(sar),
                        jnp.where(iota == 1, jnp.sum(sag), jnp.sum(sab)))
                    plsc.store_scatter(orgb, [3 * rloc + iota], rgbvals,
                                       mask=iota < 3)

                keep = jnp.where(done, zero, jnp.float32(1.0))
                r2 = jnp.where(done, sr + 1, sr)
                e2 = jnp.where(done, sread(cuv, r2 + 1), se)
                return (seg_end, r2, e2, scarry2 * keep, saw * keep,
                        sar * keep, sag * keep, sab * keep)

            sp, sr, se, scarry, saw, sar, sag, sab = lax.while_loop(
                seg_cond, seg_body,
                (p, r, e_next, carry, accw, accr, accg, accb))
            return (sp, sr, se, scarry, 1 - par, saw, sar, sag, sab)

        p0 = sread(cuv, 0)
        issue(pl.multiple_of(
            jnp.minimum(p0 & ~jnp.int32(7), jnp.int32(n - C)), 8), 0)
        lax.while_loop(lambda st: st[1] < rpw, window_body,
                       (p0, jnp.int32(0), sread(cuv, 1),
                        zero, jnp.int32(0), fz, fz, fz, fz))
        drain()

        pltpu.sync_copy(ows, ws_h.at[pl.ds(r0, rpw)])
        pltpu.sync_copy(obg, bg_h.at[pl.ds(r0, rpw)])
        pltpu.sync_copy(orgb, rgbo_h.at[pl.ds(pl.multiple_of(r0 * 3, 8),
                                              rpw * 3)])

    return k


def kernel(samples_dt, density_samples, rgb_samples, cu_seqlens):
    n = samples_dt.shape[0]
    n_rays = cu_seqlens.shape[0] - 1
    rpw = n_rays // NW
    pad = NW * rpw - n_rays + CU_T
    cu_pad = jnp.concatenate(
        [cu_seqlens, jnp.full((pad,), n, jnp.int32)])
    ws, bg, prf = _build(n, n_rays)(
        samples_dt.reshape(n), density_samples.reshape(n),
        rgb_samples[:, 0], rgb_samples[:, 1], rgb_samples[:, 2], cu_pad)
    return (prf.reshape(n_rays, 3), ws.reshape(n_rays, 1),
            bg.reshape(n_rays, 1))

# --- scband reference (transcript-rebuilt; emitter-appended) ---
"""Pipeline reference for scband-volume-rendering-nerf-29480655520026 (READ-ONLY COPY).

The authoritative reference and input builder live on the scoring server;
editing this copy changes nothing except your own understanding.
"""

import jax, jax.numpy as jnp
import numpy as np

N_SAMPLES = 2097152
N_RAYS = 16384


def setup_inputs(seed: int = 0):
    key = jax.random.key(seed)
    k1, k2, k3, k4 = jax.random.split(key, 4)
    samples_dt = jax.random.uniform(k1, (N_SAMPLES, 1), dtype=jnp.float32) * 0.01 + 1e-4
    density_samples = jax.random.uniform(k2, (N_SAMPLES, 1), dtype=jnp.float32) * 50.0
    rgb_samples = jax.random.uniform(k3, (N_SAMPLES, 3), dtype=jnp.float32)
    inner = jnp.sort(jax.random.randint(k4, (N_RAYS - 1,), 0, N_SAMPLES, dtype=jnp.int32))
    cu_seqlens = jnp.concatenate([
        jnp.zeros((1,), jnp.int32), inner, jnp.full((1,), N_SAMPLES, jnp.int32)
    ])
    return {
        "samples_dt": samples_dt,
        "density_samples": density_samples,
        "rgb_samples": rgb_samples,
        "cu_seqlens": cu_seqlens,
    }


def _segment_ids(cu_seqlens, n):
    # sample i belongs to ray r iff cu_seqlens[r] <= i < cu_seqlens[r+1]
    return jnp.searchsorted(cu_seqlens[1:], jnp.arange(n), side='right')


def reference(samples_dt, density_samples, rgb_samples, cu_seqlens):
    n = samples_dt.shape[0]
    n_rays = cu_seqlens.shape[0] - 1
    seg = _segment_ids(cu_seqlens, n)

    # alpha = 1 - exp(-sigma * dt)
    alpha = 1.0 - jnp.exp(-density_samples * samples_dt)  # [N,1]
    x = (1.0 - alpha + 1e-7).reshape(-1)                  # input to cumprod, [N]

    # per-ray exclusive cumprod via log-space cumsum with segment-start offset
    logx = jnp.log(x)
    ce = jnp.concatenate([jnp.zeros((1,), logx.dtype), jnp.cumsum(logx)])  # ce[i]=sum_{j<i} logx[j]
    start = cu_seqlens[seg]
    transmittance = jnp.exp(ce[jnp.arange(n)] - ce[start])                 # [N]
    bg_transmittance = jnp.exp(ce[cu_seqlens[1:]] - ce[cu_seqlens[:-1]]).reshape(-1, 1)  # [R,1]

    weights = (alpha.reshape(-1) * transmittance).reshape(-1, 1)           # [N,1]
    weights_sum = jax.ops.segment_sum(weights, seg, num_segments=n_rays)   # [R,1]
    # IntegrateColorAndWeights: per-ray sum of rgb * weight
    pred_rgb = jax.ops.segment_sum(rgb_samples * weights, seg, num_segments=n_rays)  # [R,3]

    return (pred_rgb, weights_sum, bg_transmittance)

if __name__ == "__main__":
    import jax
    _d = setup_inputs()
    print(jax.jit(kernel)(*tuple(_d.values())))

</pallas_src>

<mosaic_0001>
#map = affine_map<(d0, d1) -> (0)>
module attributes {stable_mosaic.version = 14 : i64} {
  func.func @k(%arg0: i32, %arg1: i32, %arg2: memref<2097152xf32, #tpu.memory_space<hbm>>, %arg3: memref<2097152xf32, #tpu.memory_space<hbm>>, %arg4: memref<2097152xf32, #tpu.memory_space<hbm>>, %arg5: memref<2097152xf32, #tpu.memory_space<hbm>>, %arg6: memref<2097152xf32, #tpu.memory_space<hbm>>, %arg7: memref<16913xi32, #tpu.memory_space<hbm>>, %arg8: memref<16384xf32, #tpu.memory_space<hbm>>, %arg9: memref<16384xf32, #tpu.memory_space<hbm>>, %arg10: memref<49152xf32, #tpu.memory_space<hbm>>, %arg11: memref<16384xf32, #tpu.memory_space<vmem>>, %arg12: memref<16384xf32, #tpu.memory_space<vmem>>, %arg13: memref<16416xf32, #tpu.memory_space<vmem>>, %arg14: memref<16416xf32, #tpu.memory_space<vmem>>, %arg15: memref<16416xf32, #tpu.memory_space<vmem>>, %arg16: memref<8208xf32, #tpu.memory_space<vmem>>, %arg17: memref<8208xf32, #tpu.memory_space<vmem>>, %arg18: memref<528xi32, #tpu.memory_space<vmem>>, %arg19: memref<512xf32, #tpu.memory_space<vmem>>, %arg20: memref<512xf32, #tpu.memory_space<vmem>>, %arg21: memref<1536xf32, #tpu.memory_space<vmem>>, %arg22: memref<!tpu.dma_semaphore, #tpu.memory_space<semaphore_mem>>, %arg23: memref<!tpu.dma_semaphore, #tpu.memory_space<semaphore_mem>>) attributes {dimension_semantics = [#tpu.dimension_semantics<core_parallel>, #tpu.dimension_semantics<subcore_parallel>], iteration_bounds = array<i64: 2, 16>, scalar_prefetch = 0 : i64, scratch_operands = 13 : i64, tpu.core_type = #tpu.core_type<sc_vector_subcore>, window_params = [{transform_indices = #map}, {transform_indices = #map}, {transform_indices = #map}, {transform_indices = #map}, {transform_indices = #map}, {transform_indices = #map}, {transform_indices = #map}, {transform_indices = #map}, {transform_indices = #map}]} {
    %mul3A = arith.constant 2 : i32
    %mul3A_0 = arith.muli %arg1, %mul3A : i32
    %add3A = arith.addi %mul3A_0, %arg0 : i32
    %mul3A_1 = arith.constant 512 : i32
    %mul3A_2 = arith.muli %add3A, %mul3A_1 : i32
    %multiple_of3A = tpu.assume_multiple %mul3A_2, 8 : i32
    "tpu.region"() ({
      %run_scoped3A = tpu.sem_alloc : memref<!tpu.dma_semaphore, #tpu.memory_space<semaphore_mem>>
      %dma_start3A_86 = tpu.memref_slice %arg7[%multiple_of3A] : memref<16913xi32, #tpu.memory_space<hbm>> -> memref<528xi32, #tpu.memory_space<hbm>>
      %dma_start3A_87 = tpu.memref_slice %arg7[%multiple_of3A] : memref<16913xi32, #tpu.memory_space<hbm>> -> memref<528xi32, #tpu.memory_space<hbm>>
      tpu.enqueue_dma source(%dma_start3A_87 : memref<528xi32, #tpu.memory_space<hbm>>) target(%arg18 : memref<528xi32, #tpu.memory_space<vmem>>) target_semaphore(%run_scoped3A : memref<!tpu.dma_semaphore, #tpu.memory_space<semaphore_mem>>)
      %dma_wait3A_88 = tpu.memref_slice %arg7[%multiple_of3A] : memref<16913xi32, #tpu.memory_space<hbm>> -> memref<528xi32, #tpu.memory_space<hbm>>
      %dma_wait3A_89 = tpu.memref_slice %arg7[%multiple_of3A] : memref<16913xi32, #tpu.memory_space<hbm>> -> memref<528xi32, #tpu.memory_space<hbm>>
      tpu.wait_dma2 semaphore(%run_scoped3A : memref<!tpu.dma_semaphore, #tpu.memory_space<semaphore_mem>>) src(%dma_wait3A_89 : memref<528xi32, #tpu.memory_space<hbm>>) dst(%arg18 : memref<528xi32, #tpu.memory_space<vmem>>)
      tpu.yield
    }) : () -> ()
    %iota3A = tpu.iota {dimensions = array<i32: 0>} : vector<16xi32>
    %eq3A = arith.constant 0 : i32
    %eq3A_3 = vector.broadcast %eq3A : i32 to vector<16xi32>
    %eq3A_4 = arith.cmpi eq, %iota3A, %eq3A_3 : vector<16xi32>
    %broadcast_in_dim3A = arith.constant 0.000000e+00 : f32
    %broadcast_in_dim3A_5 = vector.broadcast %broadcast_in_dim3A : f32 to vector<16xf32>
    %broadcast_in_dim3A_6 = arith.constant 0 : i32
    %broadcast_in_dim3A_7 = vector.broadcast %broadcast_in_dim3A_6 : i32 to vector<16xi32>
    %gather3A = tpu.vector_load_idx %arg18[%broadcast_in_dim3A_7] : memref<528xi32, #tpu.memory_space<vmem>>[vector<16xi32>], vector<16xi32>,
    %slice3A = vector.extract_strided_slice %gather3A {offsets = [0], sizes = [1], strides = [1]} : vector<16xi32> to vector<1xi32>
    %squeeze3A = vector.extract %slice3A[0] : i32 from vector<1xi32>
    %not3A = arith.constant 7 : i32
    %not3A_8 = arith.constant -1 : i32
    %not3A_9 = arith.xori %not3A, %not3A_8 : i32
    %and3A = arith.andi %squeeze3A, %not3A_9 : i32
    %min3A = arith.constant 2088960 : i32
    %min3A_10 = arith.minsi %and3A, %min3A : i32
    %multiple_of3A_11 = tpu.assume_multiple %min3A_10, 8 : i32
    %multiple_of3A_12 = arith.constant 0 : i32
    %multiple_of3A_13 = tpu.assume_multiple %multiple_of3A_12, 8 : i32
    %multiple_of3A_14 = arith.constant 0 : i32
    %multiple_of3A_15 = tpu.assume_multiple %multiple_of3A_14, 8 : i32
    %dma_start3A = tpu.memref_slice %arg11[%multiple_of3A_13] : memref<16384xf32, #tpu.memory_space<vmem>> -> memref<8192xf32, #tpu.memory_space<vmem>>
    %dma_start3A_16 = tpu.memref_slice %arg2[%multiple_of3A_11] : memref<2097152xf32, #tpu.memory_space<hbm>> -> memref<8192xf32, #tpu.memory_space<hbm>>
    %dma_start3A_17 = tpu.memref_slice %arg11[%multiple_of3A_13] : memref<16384xf32, #tpu.memory_space<vmem>> -> memref<8192xf32, #tpu.memory_space<vmem>>
    %dma_start3A_18 = tpu.memref_slice %arg2[%multiple_of3A_11] : memref<2097152xf32, #tpu.memory_space<hbm>> -> memref<8192xf32, #tpu.memory_space<hbm>>
    tpu.enqueue_dma source(%dma_start3A_18 : memref<8192xf32, #tpu.memory_space<hbm>>) target(%dma_start3A_17 : memref<8192xf32, #tpu.memory_space<vmem>>) target_semaphore(%arg22 : memref<!tpu.dma_semaphore, #tpu.memory_space<semaphore_mem>>)
    %dma_start3A_19 = tpu.memref_slice %arg12[%multiple_of3A_13] : memref<16384xf32, #tpu.memory_space<vmem>> -> memref<8192xf32, #tpu.memory_space<vmem>>
    %dma_start3A_20 = tpu.memref_slice %arg3[%multiple_of3A_11] : memref<2097152xf32, #tpu.memory_space<hbm>> -> memref<8192xf32, #tpu.memory_space<hbm>>
    %dma_start3A_21 = tpu.memref_slice %arg12[%multiple_of3A_13] : memref<16384xf32, #tpu.memory_space<vmem>> -> memref<8192xf32, #tpu.memory_space<vmem>>
    %dma_start3A_22 = tpu.memref_slice %arg3[%multiple_of3A_11] : memref<2097152xf32, #tpu.memory_space<hbm>> -> memref<8192xf32, #tpu.memory_space<hbm>>
    tpu.enqueue_dma source(%dma_start3A_22 : memref<8192xf32, #tpu.memory_space<hbm>>) target(%dma_start3A_21 : memref<8192xf32, #tpu.memory_space<vmem>>) target_semaphore(%arg22 : memref<!tpu.dma_semaphore, #tpu.memory_space<semaphore_mem>>)
    %dma_start3A_23 = tpu.memref_slice %arg13[%multiple_of3A_15] : memref<16416xf32, #tpu.memory_space<vmem>> -> memref<8192xf32, #tpu.memory_space<vmem>>
    %dma_start3A_24 = tpu.memref_slice %arg4[%multiple_of3A_11] : memref<2097152xf32, #tpu.memory_space<hbm>> -> memref<8192xf32, #tpu.memory_space<hbm>>
    %dma_start3A_25 = tpu.memref_slice %arg13[%multiple_of3A_15] : memref<16416xf32, #tpu.memory_space<vmem>> -> memref<8192xf32, #tpu.memory_space<vmem>>
    %dma_start3A_26 = tpu.memref_slice %arg4[%multiple_of3A_11] : memref<2097152xf32, #tpu.memory_space<hbm>> -> memref<8192xf32, #tpu.memory_space<hbm>>
    tpu.enqueue_dma source(%dma_start3A_26 : memref<8192xf32, #tpu.memory_space<hbm>>) target(%dma_start3A_25 : memref<8192xf32, #tpu.memory_space<vmem>>) target_semaphore(%arg23 : memref<!tpu.dma_semaphore, #tpu.memory_space<semaphore_mem>>)
    %dma_start3A_27 = tpu.memref_slice %arg14[%multiple_of3A_15] : memref<16416xf32, #tpu.memory_space<vmem>> -> memref<8192xf32, #tpu.memory_space<vmem>>
    %dma_start3A_28 = tpu.memref_slice %arg5[%multiple_of3A_11] : memref<2097152xf32, #tpu.memory_space<hbm>> -> memref<8192xf32, #tpu.memory_space<hbm>>
    %dma_start3A_29 = tpu.memref_slice %arg14[%multiple_of3A_15] : memref<16416xf32, #tpu.memory_space<vmem>> -> memref<8192xf32, #tpu.memory_space<vmem>>
    %dma_start3A_30 = tpu.memref_slice %arg5[%multiple_of3A_11] : memref<2097152xf32, #tpu.memory_space<hbm>> -> memref<8192xf32, #tpu.memory_space<hbm>>
    tpu.enqueue_dma source(%dma_start3A_30 : memref<8192xf32, #tpu.memory_space<hbm>>) target(%dma_start3A_29 : memref<8192xf32, #tpu.memory_space<vmem>>) target_semaphore(%arg23 : memref<!tpu.dma_semaphore, #tpu.memory_space<semaphore_mem>>)
    %dma_start3A_31 = tpu.memref_slice %arg15[%multiple_of3A_15] : memref<16416xf32, #tpu.memory_space<vmem>> -> memref<8192xf32, #tpu.memory_space<vmem>>
    %dma_start3A_32 = tpu.memref_slice %arg6[%multiple_of3A_11] : memref<2097152xf32, #tpu.memory_space<hbm>> -> memref<8192xf32, #tpu.memory_space<hbm>>
    %dma_start3A_33 = tpu.memref_slice %arg15[%multiple_of3A_15] : memref<16416xf32, #tpu.memory_space<vmem>> -> memref<8192xf32, #tpu.memory_space<vmem>>
    %dma_start3A_34 = tpu.memref_slice %arg6[%multiple_of3A_11] : memref<2097152xf32, #tpu.memory_space<hbm>> -> memref<8192xf32, #tpu.memory_space<hbm>>
    tpu.enqueue_dma source(%dma_start3A_34 : memref<8192xf32, #tpu.memory_space<hbm>>) target(%dma_start3A_33 : memref<8192xf32, #tpu.memory_space<vmem>>) target_semaphore(%arg23 : memref<!tpu.dma_semaphore, #tpu.memory_space<semaphore_mem>>)
    %broadcast_in_dim3A_35 = arith.constant 1 : i32
    %broadcast_in_dim3A_36 = vector.broadcast %broadcast_in_dim3A_35 : i32 to vector<16xi32>
    %gather3A_37 = tpu.vector_load_idx %arg18[%broadcast_in_dim3A_36] : memref<528xi32, #tpu.memory_space<vmem>>[vector<16xi32>], vector<16xi32>,
    %slice3A_38 = vector.extract_strided_slice %gather3A_37 {offsets = [0], sizes = [1], strides = [1]} : vector<16xi32> to vector<1xi32>
    %squeeze3A_39 = vector.extract %slice3A_38[0] : i32 from vector<1xi32>
    %while3A = arith.constant 0.000000e+00 : f32
    %while3A_40 = arith.constant 0 : i32
    %while3A_41 = arith.constant 0.000000e+00 : f32
    %while3A_42 = arith.constant 0 : i32
    %while3A_43:9 = scf.while (%while3A_86 = %squeeze3A, %while3A_87 = %while3A_40, %while3A_88 = %squeeze3A_39, %while3A_89 = %while3A_41, %while3A_90 = %while3A_42, %while3A_91 = %broadcast_in_dim3A_5, %while3A_92 = %broadcast_in_dim3A_5, %while3A_93 = %broadcast_in_dim3A_5, %while3A_94 = %broadcast_in_dim3A_5) : (i32, i32, i32, f32, i32, vector<16xf32>, vector<16xf32>, vector<16xf32>, vector<16xf32>) -> (i32, i32, i32, f32, i32, vector<16xf32>, vector<16xf32>, vector<16xf32>, vector<16xf32>) {
      %lt3A = arith.constant 512 : i32
      %lt3A_95 = arith.cmpi slt, %while3A_87, %lt3A : i32
      scf.condition(%lt3A_95) %while3A_86, %while3A_87, %while3A_88, %while3A_89, %while3A_90, %while3A_91, %while3A_92, %while3A_93, %while3A_94 : i32, i32, i32, f32, i32, vector<16xf32>, vector<16xf32>, vector<16xf32>, vector<16xf32>
    } do {
    ^bb0(%while3A_86: i32, %while3A_87: i32, %while3A_88: i32, %while3A_89: f32, %while3A_90: i32, %while3A_91: vector<16xf32>, %while3A_92: vector<16xf32>, %while3A_93: vector<16xf32>, %while3A_94: vector<16xf32>):
      %not3A_95 = arith.constant 7 : i32
      %not3A_96 = arith.constant -1 : i32
      %not3A_97 = arith.xori %not3A_95, %not3A_96 : i32
      %and3A_98 = arith.andi %while3A_86, %not3A_97 : i32
      %min3A_99 = arith.constant 2088960 : i32
      %min3A_100 = arith.minsi %and3A_98, %min3A_99 : i32
      %multiple_of3A_101 = tpu.assume_multiple %min3A_100, 8 : i32
      %add3A_102 = arith.constant 8192 : i32
      %add3A_103 = arith.addi %multiple_of3A_101, %add3A_102 : i32
      %dma_wait3A_104 = arith.constant 0 : i32
      %dma_wait3A_105 = tpu.memref_slice %arg11[%dma_wait3A_104] : memref<16384xf32, #tpu.memory_space<vmem>> -> memref<8192xf32, #tpu.memory_space<vmem>>
      %dma_wait3A_106 = arith.constant 0 : i32
      %dma_wait3A_107 = tpu.memref_slice %arg2[%dma_wait3A_106] : memref<2097152xf32, #tpu.memory_space<hbm>> -> memref<8192xf32, #tpu.memory_space<hbm>>
      %dma_wait3A_108 = arith.constant 0 : i32
      %dma_wait3A_109 = tpu.memref_slice %arg11[%dma_wait3A_108] : memref<16384xf32, #tpu.memory_space<vmem>> -> memref<8192xf32, #tpu.memory_space<vmem>>
      %dma_wait3A_110 = arith.constant 0 : i32
      %dma_wait3A_111 = tpu.memref_slice %arg2[%dma_wait3A_110] : memref<2097152xf32, #tpu.memory_space<hbm>> -> memref<8192xf32, #tpu.memory_space<hbm>>
      tpu.wait_dma2 semaphore(%arg22 : memref<!tpu.dma_semaphore, #tpu.memory_space<semaphore_mem>>) src(%dma_wait3A_111 : memref<8192xf32, #tpu.memory_space<hbm>>) dst(%dma_wait3A_109 : memref<8192xf32, #tpu.memory_space<vmem>>)
      %dma_wait3A_112 = arith.constant 0 : i32
      %dma_wait3A_113 = tpu.memref_slice %arg12[%dma_wait3A_112] : memref<16384xf32, #tpu.memory_space<vmem>> -> memref<8192xf32, #tpu.memory_space<vmem>>
      %dma_wait3A_114 = arith.constant 0 : i32
      %dma_wait3A_115 = tpu.memref_slice %arg2[%dma_wait3A_114] : memref<2097152xf32, #tpu.memory_space<hbm>> -> memref<8192xf32, #tpu.memory_space<hbm>>
      %dma_wait3A_116 = arith.constant 0 : i32
      %dma_wait3A_117 = tpu.memref_slice %arg12[%dma_wait3A_116] : memref<16384xf32, #tpu.memory_space<vmem>> -> memref<8192xf32, #tpu.memory_space<vmem>>
      %dma_wait3A_118 = arith.constant 0 : i32
      %dma_wait3A_119 = tpu.memref_slice %arg2[%dma_wait3A_118] : memref<2097152xf32, #tpu.memory_space<hbm>> -> memref<8192xf32, #tpu.memory_space<hbm>>
      tpu.wait_dma2 semaphore(%arg22 : memref<!tpu.dma_semaphore, #tpu.memory_space<semaphore_mem>>) src(%dma_wait3A_119 : memref<8192xf32, #tpu.memory_space<hbm>>) dst(%dma_wait3A_117 : memref<8192xf32, #tpu.memory_space<vmem>>)
      %dma_wait3A_120 = arith.constant 0 : i32
      %dma_wait3A_121 = tpu.memref_slice %arg13[%dma_wait3A_120] : memref<16416xf32, #tpu.memory_space<vmem>> -> memref<8192xf32, #tpu.memory_space<vmem>>
      %dma_wait3A_122 = arith.constant 0 : i32
      %dma_wait3A_123 = tpu.memref_slice %arg4[%dma_wait3A_122] : memref<2097152xf32, #tpu.memory_space<hbm>> -> memref<8192xf32, #tpu.memory_space<hbm>>
      %dma_wait3A_124 = arith.constant 0 : i32
      %dma_wait3A_125 = tpu.memref_slice %arg13[%dma_wait3A_124] : memref<16416xf32, #tpu.memory_space<vmem>> -> memref<8192xf32, #tpu.memory_space<vmem>>
      %dma_wait3A_126 = arith.constant 0 : i32
      %dma_wait3A_127 = tpu.memref_slice %arg4[%dma_wait3A_126] : memref<2097152xf32, #tpu.memory_space<hbm>> -> memref<8192xf32, #tpu.memory_space<hbm>>
      tpu.wait_dma2 semaphore(%arg23 : memref<!tpu.dma_semaphore, #tpu.memory_space<semaphore_mem>>) src(%dma_wait3A_127 : memref<8192xf32, #tpu.memory_space<hbm>>) dst(%dma_wait3A_125 : memref<8192xf32, #tpu.memory_space<vmem>>)
      %dma_wait3A_128 = arith.constant 0 : i32
      %dma_wait3A_129 = tpu.memref_slice %arg14[%dma_wait3A_128] : memref<16416xf32, #tpu.memory_space<vmem>> -> memref<8192xf32, #tpu.memory_space<vmem>>
      %dma_wait3A_130 = arith.constant 0 : i32
      %dma_wait3A_131 = tpu.memref_slice %arg4[%dma_wait3A_130] : memref<2097152xf32, #tpu.memory_space<hbm>> -> memref<8192xf32, #tpu.memory_space<hbm>>
      %dma_wait3A_132 = arith.constant 0 : i32
      %dma_wait3A_133 = tpu.memref_slice %arg14[%dma_wait3A_132] : memref<16416xf32, #tpu.memory_space<vmem>> -> memref<8192xf32, #tpu.memory_space<vmem>>
      %dma_wait3A_134 = arith.constant 0 : i32
      %dma_wait3A_135 = tpu.memref_slice %arg4[%dma_wait3A_134] : memref<2097152xf32, #tpu.memory_space<hbm>> -> memref<8192xf32, #tpu.memory_space<hbm>>
      tpu.wait_dma2 semaphore(%arg23 : memref<!tpu.dma_semaphore, #tpu.memory_space<semaphore_mem>>) src(%dma_wait3A_135 : memref<8192xf32, #tpu.memory_space<hbm>>) dst(%dma_wait3A_133 : memref<8192xf32, #tpu.memory_space<vmem>>)
      %dma_wait3A_136 = arith.constant 0 : i32
      %dma_wait3A_137 = tpu.memref_slice %arg15[%dma_wait3A_136] : memref<16416xf32, #tpu.memory_space<vmem>> -> memref<8192xf32, #tpu.memory_space<vmem>>
      %dma_wait3A_138 = arith.constant 0 : i32
      %dma_wait3A_139 = tpu.memref_slice %arg4[%dma_wait3A_138] : memref<2097152xf32, #tpu.memory_space<hbm>> -> memref<8192xf32, #tpu.memory_space<hbm>>
      %dma_wait3A_140 = arith.constant 0 : i32
      %dma_wait3A_141 = tpu.memref_slice %arg15[%dma_wait3A_140] : memref<16416xf32, #tpu.memory_space<vmem>> -> memref<8192xf32, #tpu.memory_space<vmem>>
      %dma_wait3A_142 = arith.constant 0 : i32
      %dma_wait3A_143 = tpu.memref_slice %arg4[%dma_wait3A_142] : memref<2097152xf32, #tpu.memory_space<hbm>> -> memref<8192xf32, #tpu.memory_space<hbm>>
      tpu.wait_dma2 semaphore(%arg23 : memref<!tpu.dma_semaphore, #tpu.memory_space<semaphore_mem>>) src(%dma_wait3A_143 : memref<8192xf32, #tpu.memory_space<hbm>>) dst(%dma_wait3A_141 : memref<8192xf32, #tpu.memory_space<vmem>>)
      %min3A_144 = arith.constant 2088960 : i32
      %min3A_145 = arith.minsi %add3A_103, %min3A_144 : i32
      %multiple_of3A_146 = tpu.assume_multiple %min3A_145, 8 : i32
      %sub3A = arith.constant 1 : i32
      %sub3A_147 = arith.subi %sub3A, %while3A_90 : i32
      %mul3A_148 = arith.constant 8192 : i32
      %mul3A_149 = arith.muli %sub3A_147, %mul3A_148 : i32
      %multiple_of3A_150 = tpu.assume_multiple %mul3A_149, 8 : i32
      %mul3A_151 = arith.constant 8208 : i32
      %mul3A_152 = arith.muli %sub3A_147, %mul3A_151 : i32
      %multiple_of3A_153 = tpu.assume_multiple %mul3A_152, 8 : i32
      %dma_start3A_154 = tpu.memref_slice %arg11[%multiple_of3A_150] : memref<16384xf32, #tpu.memory_space<vmem>> -> memref<8192xf32, #tpu.memory_space<vmem>>
      %dma_start3A_155 = tpu.memref_slice %arg2[%multiple_of3A_146] : memref<2097152xf32, #tpu.memory_space<hbm>> -> memref<8192xf32, #tpu.memory_space<hbm>>
      %dma_start3A_156 = tpu.memref_slice %arg11[%multiple_of3A_150] : memref<16384xf32, #tpu.memory_space<vmem>> -> memref<8192xf32, #tpu.memory_space<vmem>>
      %dma_start3A_157 = tpu.memref_slice %arg2[%multiple_of3A_146] : memref<2097152xf32, #tpu.memory_space<hbm>> -> memref<8192xf32, #tpu.memory_space<hbm>>
      tpu.enqueue_dma source(%dma_start3A_157 : memref<8192xf32, #tpu.memory_space<hbm>>) target(%dma_start3A_156 : memref<8192xf32, #tpu.memory_space<vmem>>) target_semaphore(%arg22 : memref<!tpu.dma_semaphore, #tpu.memory_space<semaphore_mem>>)
      %dma_start3A_158 = tpu.memref_slice %arg12[%multiple_of3A_150] : memref<16384xf32, #tpu.memory_space<vmem>> -> memref<8192xf32, #tpu.memory_space<vmem>>
      %dma_start3A_159 = tpu.memref_slice %arg3[%multiple_of3A_146] : memref<2097152xf32, #tpu.memory_space<hbm>> -> memref<8192xf32, #tpu.memory_space<hbm>>
      %dma_start3A_160 = tpu.memref_slice %arg12[%multiple_of3A_150] : memref<16384xf32, #tpu.memory_space<vmem>> -> memref<8192xf32, #tpu.memory_space<vmem>>
      %dma_start3A_161 = tpu.memref_slice %arg3[%multiple_of3A_146] : memref<2097152xf32, #tpu.memory_space<hbm>> -> memref<8192xf32, #tpu.memory_space<hbm>>
      tpu.enqueue_dma source(%dma_start3A_161 : memref<8192xf32, #tpu.memory_space<hbm>>) target(%dma_start3A_160 : memref<8192xf32, #tpu.memory_space<vmem>>) target_semaphore(%arg22 : memref<!tpu.dma_semaphore, #tpu.memory_space<semaphore_mem>>)
      %dma_start3A_162 = tpu.memref_slice %arg13[%multiple_of3A_153] : memref<16416xf32, #tpu.memory_space<vmem>> -> memref<8192xf32, #tpu.memory_space<vmem>>
      %dma_start3A_163 = tpu.memref_slice %arg4[%multiple_of3A_146] : memref<2097152xf32, #tpu.memory_space<hbm>> -> memref<8192xf32, #tpu.memory_space<hbm>>
      %dma_start3A_164 = tpu.memref_slice %arg13[%multiple_of3A_153] : memref<16416xf32, #tpu.memory_space<vmem>> -> memref<8192xf32, #tpu.memory_space<vmem>>
      %dma_start3A_165 = tpu.memref_slice %arg4[%multiple_of3A_146] : memref<2097152xf32, #tpu.memory_space<hbm>> -> memref<8192xf32, #tpu.memory_space<hbm>>
      tpu.enqueue_dma source(%dma_start3A_165 : memref<8192xf32, #tpu.memory_space<hbm>>) target(%dma_start3A_164 : memref<8192xf32, #tpu.memory_space<vmem>>) target_semaphore(%arg23 : memref<!tpu.dma_semaphore, #tpu.memory_space<semaphore_mem>>)
      %dma_start3A_166 = tpu.memref_slice %arg14[%multiple_of3A_153] : memref<16416xf32, #tpu.memory_space<vmem>> -> memref<8192xf32, #tpu.memory_space<vmem>>
      %dma_start3A_167 = tpu.memref_slice %arg5[%multiple_of3A_146] : memref<2097152xf32, #tpu.memory_space<hbm>> -> memref<8192xf32, #tpu.memory_space<hbm>>
      %dma_start3A_168 = tpu.memref_slice %arg14[%multiple_of3A_153] : memref<16416xf32, #tpu.memory_space<vmem>> -> memref<8192xf32, #tpu.memory_space<vmem>>
      %dma_start3A_169 = tpu.memref_slice %arg5[%multiple_of3A_146] : memref<2097152xf32, #tpu.memory_space<hbm>> -> memref<8192xf32, #tpu.memory_space<hbm>>
      tpu.enqueue_dma source(%dma_start3A_169 : memref<8192xf32, #tpu.memory_space<hbm>>) target(%dma_start3A_168 : memref<8192xf32, #tpu.memory_space<vmem>>) target_semaphore(%arg23 : memref<!tpu.dma_semaphore, #tpu.memory_space<semaphore_mem>>)
      %dma_start3A_170 = tpu.memref_slice %arg15[%multiple_of3A_153] : memref<16416xf32, #tpu.memory_space<vmem>> -> memref<8192xf32, #tpu.memory_space<vmem>>
      %dma_start3A_171 = tpu.memref_slice %arg6[%multiple_of3A_146] : memref<2097152xf32, #tpu.memory_space<hbm>> -> memref<8192xf32, #tpu.memory_space<hbm>>
      %dma_start3A_172 = tpu.memref_slice %arg15[%multiple_of3A_153] : memref<16416xf32, #tpu.memory_space<vmem>> -> memref<8192xf32, #tpu.memory_space<vmem>>
      %dma_start3A_173 = tpu.memref_slice %arg6[%multiple_of3A_146] : memref<2097152xf32, #tpu.memory_space<hbm>> -> memref<8192xf32, #tpu.memory_space<hbm>>
      tpu.enqueue_dma source(%dma_start3A_173 : memref<8192xf32, #tpu.memory_space<hbm>>) target(%dma_start3A_172 : memref<8192xf32, #tpu.memory_space<vmem>>) target_semaphore(%arg23 : memref<!tpu.dma_semaphore, #tpu.memory_space<semaphore_mem>>)
      %mul3A_174 = arith.constant 8192 : i32
      %mul3A_175 = arith.muli %while3A_90, %mul3A_174 : i32
      %multiple_of3A_176 = tpu.assume_multiple %mul3A_175, 8 : i32
      %mul3A_177 = arith.constant 8208 : i32
      %mul3A_178 = arith.muli %while3A_90, %mul3A_177 : i32
      %broadcast_in_dim3A_179 = vector.broadcast %mul3A_178 : i32 to vector<16xi32>
      %parallel_loop3A = arith.constant 0 : i32
      %parallel_loop3A_180 = arith.constant 8192 : i32
      %parallel_loop3A_181 = arith.constant 16 : i32
      %parallel_loop3A_182 = scf.for %parallel_loop3A_189 = %parallel_loop3A to %parallel_loop3A_180 step %parallel_loop3A_181 iter_args(%parallel_loop3A_190 = %while3A) -> (f32)  : i32 {
        %parallel_loop3A_191 = arith.addi %multiple_of3A_176, %parallel_loop3A_189 : i32
        %parallel_loop3A_192 = arith.index_cast %parallel_loop3A_191 : i32 to index
        %parallel_loop3A_193 = tpu.vector_load %arg11[%parallel_loop3A_192] {strides = array<i32>} : memref<16384xf32, #tpu.memory_space<vmem>>, vector<16xf32>,
        %parallel_loop3A_194 = arith.addi %multiple_of3A_176, %parallel_loop3A_189 : i32
        %parallel_loop3A_195 = arith.index_cast %parallel_loop3A_194 : i32 to index
        %parallel_loop3A_196 = tpu.vector_load %arg12[%parallel_loop3A_195] {strides = array<i32>} : memref<16384xf32, #tpu.memory_space<vmem>>, vector<16xf32>,
        %parallel_loop3A_197 = arith.mulf %parallel_loop3A_193, %parallel_loop3A_196 : vector<16xf32>
        %parallel_loop3A_198 = arith.constant 0.000000e+00 : f32
        %parallel_loop3A_199 = vector.broadcast %parallel_loop3A_198 : f32 to vector<16xf32>
        %parallel_loop3A_200 = arith.subf %parallel_loop3A_199, %parallel_loop3A_197 : vector<16xf32>
        %parallel_loop3A_201 = math.exp %parallel_loop3A_200 : vector<16xf32>
        %parallel_loop3A_202 = arith.constant 1.000000e+00 : f32
        %parallel_loop3A_203 = vector.broadcast %parallel_loop3A_202 : f32 to vector<16xf32>
        %parallel_loop3A_204 = arith.subf %parallel_loop3A_203, %parallel_loop3A_201 : vector<16xf32>
        %parallel_loop3A_205 = arith.index_cast %parallel_loop3A_189 : i32 to index
        %parallel_loop3A_206 = tpu.vector_load %arg16[%parallel_loop3A_205] {strides = array<i32>} : memref<8208xf32, #tpu.memory_space<vmem>>, vector<16xf32>,
        tpu.vector_store %arg16[%parallel_loop3A_205], %parallel_loop3A_204 {strides = array<i32>} : memref<8208xf32, #tpu.memory_space<vmem>>, vector<16xf32>,
        %parallel_loop3A_207 = math.exp %parallel_loop3A_197 : vector<16xf32>
        %parallel_loop3A_208 = arith.constant 1.000000e-07 : f32
        %parallel_loop3A_209 = vector.broadcast %parallel_loop3A_208 : f32 to vector<16xf32>
        %parallel_loop3A_210 = arith.mulf %parallel_loop3A_209, %parallel_loop3A_207 : vector<16xf32>
        %parallel_loop3A_211 = arith.subf %parallel_loop3A_210, %parallel_loop3A_197 : vector<16xf32>
        %parallel_loop3A_212 = arith.constant true
        %parallel_loop3A_213 = vector.broadcast %parallel_loop3A_212 : i1 to vector<16xi1>
        %parallel_loop3A_214 = tpu.scan <sum>, %parallel_loop3A_211 masked %parallel_loop3A_213 : vector<16xf32>, vector<16xi1> -> vector<16xf32>
        %parallel_loop3A_215 = vector.broadcast %parallel_loop3A_190 : f32 to vector<16xf32>
        %parallel_loop3A_216 = arith.subf %parallel_loop3A_215, %parallel_loop3A_211 : vector<16xf32>
        %parallel_loop3A_217 = arith.addf %parallel_loop3A_216, %parallel_loop3A_214 : vector<16xf32>
        %parallel_loop3A_218 = arith.index_cast %parallel_loop3A_189 : i32 to index
        %parallel_loop3A_219 = tpu.vector_load %arg17[%parallel_loop3A_218] {strides = array<i32>} : memref<8208xf32, #tpu.memory_space<vmem>>, vector<16xf32>,
        tpu.vector_store %arg17[%parallel_loop3A_218], %parallel_loop3A_217 {strides = array<i32>} : memref<8208xf32, #tpu.memory_space<vmem>>, vector<16xf32>,
        %parallel_loop3A_220 = vector.extract_strided_slice %parallel_loop3A_214 {offsets = [15], sizes = [1], strides = [1]} : vector<16xf32> to vector<1xf32>
        %parallel_loop3A_221 = vector.extract %parallel_loop3A_220[0] : f32 from vector<1xf32>
        %parallel_loop3A_222 = arith.addf %parallel_loop3A_190, %parallel_loop3A_221 : f32
        scf.yield %parallel_loop3A_222 : f32
      } {sc.loop_unroll_factor = 8 : i64, sc.parallel_access}
      %broadcast_in_dim3A_183 = arith.constant 8192 : i32
      %broadcast_in_dim3A_184 = vector.broadcast %broadcast_in_dim3A_183 : i32 to vector<16xi32>
      %broadcast_in_dim3A_185 = vector.broadcast %parallel_loop3A_182 : f32 to vector<16xf32>
      tpu.vector_store_idx %arg17[%broadcast_in_dim3A_184], %broadcast_in_dim3A_185 masked %eq3A_4 : memref<8208xf32, #tpu.memory_space<vmem>>[vector<16xi32>], vector<16xf32>, vector<16xi1>
      %while3A_186:8 = scf.while (%while3A_189 = %while3A_86, %while3A_190 = %while3A_87, %while3A_191 = %while3A_88, %while3A_192 = %while3A_89, %while3A_193 = %while3A_91, %while3A_194 = %while3A_92, %while3A_195 = %while3A_93, %while3A_196 = %while3A_94) : (i32, i32, i32, f32, vector<16xf32>, vector<16xf32>, vector<16xf32>, vector<16xf32>) -> (i32, i32, i32, f32, vector<16xf32>, vector<16xf32>, vector<16xf32>, vector<16xf32>) {
        %lt3A = arith.constant 512 : i32
        %lt3A_197 = arith.cmpi slt, %while3A_190, %lt3A : i32
        %lt3A_198 = arith.cmpi slt, %while3A_189, %add3A_103 : i32
        %le3A = arith.cmpi sle, %while3A_191, %while3A_189 : i32
        %or3A = arith.ori %lt3A_198, %le3A : i1
        %and3A_199 = arith.andi %lt3A_197, %or3A : i1
        scf.condition(%and3A_199) %while3A_189, %while3A_190, %while3A_191, %while3A_192, %while3A_193, %while3A_194, %while3A_195, %while3A_196 : i32, i32, i32, f32, vector<16xf32>, vector<16xf32>, vector<16xf32>, vector<16xf32>
      } do {
      ^bb0(%while3A_189: i32, %while3A_190: i32, %while3A_191: i32, %while3A_192: f32, %while3A_193: vector<16xf32>, %while3A_194: vector<16xf32>, %while3A_195: vector<16xf32>, %while3A_196: vector<16xf32>):
        %min3A_197 = arith.minsi %while3A_191, %add3A_103 : i32
        %sub3A_198 = arith.subi %min3A_197, %while3A_189 : i32
        %add3A_199 = arith.constant 15 : i32
        %add3A_200 = arith.addi %sub3A_198, %add3A_199 : i32
        %jit3A = arith.constant 16 : i32
        %div3A = arith.divsi %add3A_200, %jit3A : i32
        %sign3A = arith.constant 0 : i32
        %sign3A_201 = arith.cmpi sgt, %add3A_200, %sign3A : i32
        %sign3A_202 = arith.extui %sign3A_201 : i1 to i32
        %sign3A_203 = arith.constant 0 : i32
        %sign3A_204 = arith.cmpi slt, %add3A_200, %sign3A_203 : i32
        %sign3A_205 = arith.extui %sign3A_204 : i1 to i32
        %sign3A_206 = arith.subi %sign3A_202, %sign3A_205 : i32
        %sign3A_207 = arith.constant 0 : i32
        %sign3A_208 = arith.cmpi sgt, %jit3A, %sign3A_207 : i32
        %sign3A_209 = arith.extui %sign3A_208 : i1 to i32
        %sign3A_210 = arith.constant 0 : i32
        %sign3A_211 = arith.cmpi slt, %jit3A, %sign3A_210 : i32
        %sign3A_212 = arith.extui %sign3A_211 : i1 to i32
        %sign3A_213 = arith.subi %sign3A_209, %sign3A_212 : i32
        %ne3A = arith.cmpi ne, %sign3A_206, %sign3A_213 : i32
        %rem3A = arith.remsi %add3A_200, %jit3A : i32
        %ne3A_214 = arith.constant 0 : i32
        %ne3A_215 = arith.cmpi ne, %rem3A, %ne3A_214 : i32
        %and3A_216 = arith.andi %ne3A, %ne3A_215 : i1
        %sub3A_217 = arith.constant 1 : i32
        %sub3A_218 = arith.subi %div3A, %sub3A_217 : i32
        %select_n3A = arith.select %and3A_216, %sub3A_218, %div3A : i32
        %sub3A_219 = arith.subi %while3A_189, %multiple_of3A_101 : i32
        %broadcast_in_dim3A_220 = vector.broadcast %sub3A_219 : i32 to vector<16xi32>
        %gather3A_221 = tpu.vector_load_idx %arg17[%broadcast_in_dim3A_220] : memref<8208xf32, #tpu.memory_space<vmem>>[vector<16xi32>], vector<16xf32>,
        %slice3A_222 = vector.extract_strided_slice %gather3A_221 {offsets = [0], sizes = [1], strides = [1]} : vector<16xf32> to vector<1xf32>
        %squeeze3A_223 = vector.extract %slice3A_222[0] : f32 from vector<1xf32>
        %sub3A_224 = arith.subf %while3A_192, %squeeze3A_223 : f32
        %broadcast_in_dim3A_225 = vector.broadcast %sub3A_224 : f32 to vector<16xf32>
        %sub3A_226 = arith.subi %while3A_189, %multiple_of3A_101 : i32
        %mul3A_227 = arith.constant 8208 : i32
        %mul3A_228 = arith.muli %while3A_90, %mul3A_227 : i32
        %add3A_229 = arith.addi %sub3A_226, %mul3A_228 : i32
        %sub3A_230 = arith.subi %min3A_197, %while3A_189 : i32
        %mul3A_231 = arith.constant 16 : i32
        %mul3A_232 = arith.muli %select_n3A, %mul3A_231 : i32
        %parallel_loop3A_233 = arith.constant 0 : i32
        %parallel_loop3A_234 = arith.constant 16 : i32
        %parallel_loop3A_235:4 = scf.for %parallel_loop3A_265 = %parallel_loop3A_233 to %mul3A_232 step %parallel_loop3A_234 iter_args(%parallel_loop3A_266 = %while3A_193, %parallel_loop3A_267 = %while3A_194, %parallel_loop3A_268 = %while3A_195, %parallel_loop3A_269 = %while3A_196) -> (vector<16xf32>, vector<16xf32>, vector<16xf32>, vector<16xf32>)  : i32 {
          %parallel_loop3A_270 = vector.broadcast %parallel_loop3A_265 : i32 to vector<16xi32>
          %parallel_loop3A_271 = arith.addi %parallel_loop3A_270, %iota3A : vector<16xi32>
          %parallel_loop3A_272 = vector.broadcast %sub3A_230 : i32 to vector<16xi32>
          %parallel_loop3A_273 = arith.cmpi slt, %parallel_loop3A_271, %parallel_loop3A_272 : vector<16xi32>
          %parallel_loop3A_274 = arith.addi %sub3A_226, %parallel_loop3A_265 : i32
          %parallel_loop3A_275 = arith.index_cast %parallel_loop3A_274 : i32 to index
          %parallel_loop3A_276 = tpu.vector_load %arg17[%parallel_loop3A_275] {strides = array<i32>} : memref<8208xf32, #tpu.memory_space<vmem>>, vector<16xf32>,
          %parallel_loop3A_277 = arith.addi %sub3A_226, %parallel_loop3A_265 : i32
          %parallel_loop3A_278 = arith.index_cast %parallel_loop3A_277 : i32 to index
          %parallel_loop3A_279 = tpu.vector_load %arg16[%parallel_loop3A_278] {strides = array<i32>} : memref<8208xf32, #tpu.memory_space<vmem>>, vector<16xf32>,
          %parallel_loop3A_280 = arith.addf %broadcast_in_dim3A_225, %parallel_loop3A_276 : vector<16xf32>
          %parallel_loop3A_281 = math.exp %parallel_loop3A_280 : vector<16xf32>
          %parallel_loop3A_282 = arith.mulf %parallel_loop3A_279, %parallel_loop3A_281 : vector<16xf32>
          %parallel_loop3A_283 = vector.broadcast %while3A : f32 to vector<16xf32>
          %parallel_loop3A_284 = arith.select %parallel_loop3A_273, %parallel_loop3A_282, %parallel_loop3A_283 : vector<16xi1>, vector<16xf32>
          %parallel_loop3A_285 = arith.addi %add3A_229, %parallel_loop3A_265 : i32
          %parallel_loop3A_286 = arith.index_cast %parallel_loop3A_285 : i32 to index
          %parallel_loop3A_287 = tpu.vector_load %arg13[%parallel_loop3A_286] {strides = array<i32>} : memref<16416xf32, #tpu.memory_space<vmem>>, vector<16xf32>,
          %parallel_loop3A_288 = arith.addi %add3A_229, %parallel_loop3A_265 : i32
          %parallel_loop3A_289 = arith.index_cast %parallel_loop3A_288 : i32 to index
          %parallel_loop3A_290 = tpu.vector_load %arg14[%parallel_loop3A_289] {strides = array<i32>} : memref<16416xf32, #tpu.memory_space<vmem>>, vector<16xf32>,
          %parallel_loop3A_291 = arith.addi %add3A_229, %parallel_loop3A_265 : i32
          %parallel_loop3A_292 = arith.index_cast %parallel_loop3A_291 : i32 to index
          %parallel_loop3A_293 = tpu.vector_load %arg15[%parallel_loop3A_292] {strides = array<i32>} : memref<16416xf32, #tpu.memory_space<vmem>>, vector<16xf32>,
          %parallel_loop3A_294 = arith.addf %parallel_loop3A_266, %parallel_loop3A_284 : vector<16xf32>
          %parallel_loop3A_295 = arith.mulf %parallel_loop3A_287, %parallel_loop3A_284 : vector<16xf32>
          %parallel_loop3A_296 = arith.addf %parallel_loop3A_267, %parallel_loop3A_295 : vector<16xf32>
          %parallel_loop3A_297 = arith.mulf %parallel_loop3A_290, %parallel_loop3A_284 : vector<16xf32>
          %parallel_loop3A_298 = arith.addf %parallel_loop3A_268, %parallel_loop3A_297 : vector<16xf32>
          %parallel_loop3A_299 = arith.mulf %parallel_loop3A_293, %parallel_loop3A_284 : vector<16xf32>
          %parallel_loop3A_300 = arith.addf %parallel_loop3A_269, %parallel_loop3A_299 : vector<16xf32>
          scf.yield %parallel_loop3A_294, %parallel_loop3A_296, %parallel_loop3A_298, %parallel_loop3A_300 : vector<16xf32>, vector<16xf32>, vector<16xf32>, vector<16xf32>
        } {sc.loop_unroll_factor = 2 : i64, sc.parallel_access}
        %sub3A_236 = arith.subi %min3A_197, %multiple_of3A_101 : i32
        %broadcast_in_dim3A_237 = vector.broadcast %sub3A_236 : i32 to vector<16xi32>
        %gather3A_238 = tpu.vector_load_idx %arg17[%broadcast_in_dim3A_237] : memref<8208xf32, #tpu.memory_space<vmem>>[vector<16xi32>], vector<16xf32>,
        %slice3A_239 = vector.extract_strided_slice %gather3A_238 {offsets = [0], sizes = [1], strides = [1]} : vector<16xf32> to vector<1xf32>
        %squeeze3A_240 = vector.extract %slice3A_239[0] : f32 from vector<1xf32>
        %add3A_241 = arith.addf %sub3A_224, %squeeze3A_240 : f32
        %eq3A_242 = arith.cmpi eq, %min3A_197, %while3A_191 : i32
        %convert_element_type3A = arith.extui %eq3A_242 : i1 to i32
        %cond3A = arith.constant 0 : i32
        %cond3A_243 = arith.cmpi ne, %convert_element_type3A, %cond3A : i32
        scf.if %cond3A_243 {
          %broadcast_in_dim3A_265 = vector.broadcast %while3A_190 : i32 to vector<16xi32>
          %reduce_sum3A = arith.constant true
          %reduce_sum3A_266 = vector.broadcast %reduce_sum3A : i1 to vector<16xi1>
          %reduce_sum3A_267 = tpu.scan <sum>, %parallel_loop3A_235#0 masked %reduce_sum3A_266 : vector<16xf32>, vector<16xi1> -> vector<16xf32>
          %reduce_sum3A_268 = vector.extract %reduce_sum3A_267[15] : f32 from vector<16xf32>
          %broadcast_in_dim3A_269 = vector.broadcast %reduce_sum3A_268 : f32 to vector<16xf32>
          tpu.vector_store_idx %arg19[%broadcast_in_dim3A_265], %broadcast_in_dim3A_269 masked %eq3A_4 : memref<512xf32, #tpu.memory_space<vmem>>[vector<16xi32>], vector<16xf32>, vector<16xi1>
          %broadcast_in_dim3A_270 = vector.broadcast %add3A_241 : f32 to vector<16xf32>
          %exp3A = math.exp %broadcast_in_dim3A_270 : vector<16xf32>
          tpu.vector_store_idx %arg20[%broadcast_in_dim3A_265], %exp3A masked %eq3A_4 : memref<512xf32, #tpu.memory_space<vmem>>[vector<16xi32>], vector<16xf32>, vector<16xi1>
          %eq3A_271 = arith.constant 0 : i32
          %eq3A_272 = vector.broadcast %eq3A_271 : i32 to vector<16xi32>
          %eq3A_273 = arith.cmpi eq, %iota3A, %eq3A_272 : vector<16xi32>
          %reduce_sum3A_274 = arith.constant true
          %reduce_sum3A_275 = vector.broadcast %reduce_sum3A_274 : i1 to vector<16xi1>
          %reduce_sum3A_276 = tpu.scan <sum>, %parallel_loop3A_235#1 masked %reduce_sum3A_275 : vector<16xf32>, vector<16xi1> -> vector<16xf32>
          %reduce_sum3A_277 = vector.extract %reduce_sum3A_276[15] : f32 from vector<16xf32>
          %eq3A_278 = arith.constant 1 : i32
          %eq3A_279 = vector.broadcast %eq3A_278 : i32 to vector<16xi32>
          %eq3A_280 = arith.cmpi eq, %iota3A, %eq3A_279 : vector<16xi32>
          %reduce_sum3A_281 = arith.constant true
          %reduce_sum3A_282 = vector.broadcast %reduce_sum3A_281 : i1 to vector<16xi1>
          %reduce_sum3A_283 = tpu.scan <sum>, %parallel_loop3A_235#2 masked %reduce_sum3A_282 : vector<16xf32>, vector<16xi1> -> vector<16xf32>
          %reduce_sum3A_284 = vector.extract %reduce_sum3A_283[15] : f32 from vector<16xf32>
          %reduce_sum3A_285 = arith.constant true
          %reduce_sum3A_286 = vector.broadcast %reduce_sum3A_285 : i1 to vector<16xi1>
          %reduce_sum3A_287 = tpu.scan <sum>, %parallel_loop3A_235#3 masked %reduce_sum3A_286 : vector<16xf32>, vector<16xi1> -> vector<16xf32>
          %reduce_sum3A_288 = vector.extract %reduce_sum3A_287[15] : f32 from vector<16xf32>
          %broadcast_in_dim3A_289 = vector.broadcast %reduce_sum3A_284 : f32 to vector<16xf32>
          %broadcast_in_dim3A_290 = vector.broadcast %reduce_sum3A_288 : f32 to vector<16xf32>
          %select_n3A_291 = arith.select %eq3A_280, %broadcast_in_dim3A_289, %broadcast_in_dim3A_290 : vector<16xi1>, vector<16xf32>
          %broadcast_in_dim3A_292 = vector.broadcast %reduce_sum3A_277 : f32 to vector<16xf32>
          %select_n3A_293 = arith.select %eq3A_273, %broadcast_in_dim3A_292, %select_n3A_291 : vector<16xi1>, vector<16xf32>
          %mul3A_294 = arith.constant 3 : i32
          %mul3A_295 = vector.broadcast %mul3A_294 : i32 to vector<16xi32>
          %mul3A_296 = arith.muli %mul3A_295, %broadcast_in_dim3A_265 : vector<16xi32>
          %add3A_297 = arith.addi %mul3A_296, %iota3A : vector<16xi32>
          %lt3A = arith.constant 3 : i32
          %lt3A_298 = vector.broadcast %lt3A : i32 to vector<16xi32>
          %lt3A_299 = arith.cmpi slt, %iota3A, %lt3A_298 : vector<16xi32>
          tpu.vector_store_idx %arg21[%add3A_297], %select_n3A_293 masked %lt3A_299 : memref<1536xf32, #tpu.memory_space<vmem>>[vector<16xi32>], vector<16xf32>, vector<16xi1>
        } else {
        }
        %jit3A_244 = arith.constant 1.000000e+00 : f32
        %select_n3A_245 = arith.select %eq3A_242, %while3A, %jit3A_244 : f32
        %add3A_246 = arith.constant 1 : i32
        %add3A_247 = arith.addi %while3A_190, %add3A_246 : i32
        %select_n3A_248 = arith.select %eq3A_242, %add3A_247, %while3A_190 : i32
        %add3A_249 = arith.constant 1 : i32
        %add3A_250 = arith.addi %select_n3A_248, %add3A_249 : i32
        %broadcast_in_dim3A_251 = vector.broadcast %add3A_250 : i32 to vector<16xi32>
        %gather3A_252 = tpu.vector_load_idx %arg18[%broadcast_in_dim3A_251] : memref<528xi32, #tpu.memory_space<vmem>>[vector<16xi32>], vector<16xi32>,
        %slice3A_253 = vector.extract_strided_slice %gather3A_252 {offsets = [0], sizes = [1], strides = [1]} : vector<16xi32> to vector<1xi32>
        %squeeze3A_254 = vector.extract %slice3A_253[0] : i32 from vector<1xi32>
        %select_n3A_255 = arith.select %eq3A_242, %squeeze3A_254, %while3A_191 : i32
        %mul3A_256 = arith.mulf %add3A_241, %select_n3A_245 : f32
        %mul3A_257 = vector.broadcast %select_n3A_245 : f32 to vector<16xf32>
        %mul3A_258 = arith.mulf %parallel_loop3A_235#0, %mul3A_257 : vector<16xf32>
        %mul3A_259 = vector.broadcast %select_n3A_245 : f32 to vector<16xf32>
        %mul3A_260 = arith.mulf %parallel_loop3A_235#1, %mul3A_259 : vector<16xf32>
        %mul3A_261 = vector.broadcast %select_n3A_245 : f32 to vector<16xf32>
        %mul3A_262 = arith.mulf %parallel_loop3A_235#2, %mul3A_261 : vector<16xf32>
        %mul3A_263 = vector.broadcast %select_n3A_245 : f32 to vector<16xf32>
        %mul3A_264 = arith.mulf %parallel_loop3A_235#3, %mul3A_263 : vector<16xf32>
        scf.yield %min3A_197, %select_n3A_248, %select_n3A_255, %mul3A_256, %mul3A_258, %mul3A_260, %mul3A_262, %mul3A_264 : i32, i32, i32, f32, vector<16xf32>, vector<16xf32>, vector<16xf32>, vector<16xf32>
      }
      %sub3A_187 = arith.constant 1 : i32
      %sub3A_188 = arith.subi %sub3A_187, %while3A_90 : i32
      scf.yield %while3A_186#0, %while3A_186#1, %while3A_186#2, %while3A_186#3, %sub3A_188, %while3A_186#4, %while3A_186#5, %while3A_186#6, %while3A_186#7 : i32, i32, i32, f32, i32, vector<16xf32>, vector<16xf32>, vector<16xf32>, vector<16xf32>
    }
    %dma_wait3A = arith.constant 0 : i32
    %dma_wait3A_44 = tpu.memref_slice %arg11[%dma_wait3A] : memref<16384xf32, #tpu.memory_space<vmem>> -> memref<8192xf32, #tpu.memory_space<vmem>>
    %dma_wait3A_45 = arith.constant 0 : i32
    %dma_wait3A_46 = tpu.memref_slice %arg2[%dma_wait3A_45] : memref<2097152xf32, #tpu.memory_space<hbm>> -> memref<8192xf32, #tpu.memory_space<hbm>>
    %dma_wait3A_47 = arith.constant 0 : i32
    %dma_wait3A_48 = tpu.memref_slice %arg11[%dma_wait3A_47] : memref<16384xf32, #tpu.memory_space<vmem>> -> memref<8192xf32, #tpu.memory_space<vmem>>
    %dma_wait3A_49 = arith.constant 0 : i32
    %dma_wait3A_50 = tpu.memref_slice %arg2[%dma_wait3A_49] : memref<2097152xf32, #tpu.memory_space<hbm>> -> memref<8192xf32, #tpu.memory_space<hbm>>
    tpu.wait_dma2 semaphore(%arg22 : memref<!tpu.dma_semaphore, #tpu.memory_space<semaphore_mem>>) src(%dma_wait3A_50 : memref<8192xf32, #tpu.memory_space<hbm>>) dst(%dma_wait3A_48 : memref<8192xf32, #tpu.memory_space<vmem>>)
    %dma_wait3A_51 = arith.constant 0 : i32
    %dma_wait3A_52 = tpu.memref_slice %arg12[%dma_wait3A_51] : memref<16384xf32, #tpu.memory_space<vmem>> -> memref<8192xf32, #tpu.memory_space<vmem>>
    %dma_wait3A_53 = arith.constant 0 : i32
    %dma_wait3A_54 = tpu.memref_slice %arg2[%dma_wait3A_53] : memref<2097152xf32, #tpu.memory_space<hbm>> -> memref<8192xf32, #tpu.memory_space<hbm>>
    %dma_wait3A_55 = arith.constant 0 : i32
    %dma_wait3A_56 = tpu.memref_slice %arg12[%dma_wait3A_55] : memref<16384xf32, #tpu.memory_space<vmem>> -> memref<8192xf32, #tpu.memory_space<vmem>>
    %dma_wait3A_57 = arith.constant 0 : i32
    %dma_wait3A_58 = tpu.memref_slice %arg2[%dma_wait3A_57] : memref<2097152xf32, #tpu.memory_space<hbm>> -> memref<8192xf32, #tpu.memory_space<hbm>>
    tpu.wait_dma2 semaphore(%arg22 : memref<!tpu.dma_semaphore, #tpu.memory_space<semaphore_mem>>) src(%dma_wait3A_58 : memref<8192xf32, #tpu.memory_space<hbm>>) dst(%dma_wait3A_56 : memref<8192xf32, #tpu.memory_space<vmem>>)
    %dma_wait3A_59 = arith.constant 0 : i32
    %dma_wait3A_60 = tpu.memref_slice %arg13[%dma_wait3A_59] : memref<16416xf32, #tpu.memory_space<vmem>> -> memref<8192xf32, #tpu.memory_space<vmem>>
    %dma_wait3A_61 = arith.constant 0 : i32
    %dma_wait3A_62 = tpu.memref_slice %arg4[%dma_wait3A_61] : memref<2097152xf32, #tpu.memory_space<hbm>> -> memref<8192xf32, #tpu.memory_space<hbm>>
    %dma_wait3A_63 = arith.constant 0 : i32
    %dma_wait3A_64 = tpu.memref_slice %arg13[%dma_wait3A_63] : memref<16416xf32, #tpu.memory_space<vmem>> -> memref<8192xf32, #tpu.memory_space<vmem>>
    %dma_wait3A_65 = arith.constant 0 : i32
    %dma_wait3A_66 = tpu.memref_slice %arg4[%dma_wait3A_65] : memref<2097152xf32, #tpu.memory_space<hbm>> -> memref<8192xf32, #tpu.memory_space<hbm>>
    tpu.wait_dma2 semaphore(%arg23 : memref<!tpu.dma_semaphore, #tpu.memory_space<semaphore_mem>>) src(%dma_wait3A_66 : memref<8192xf32, #tpu.memory_space<hbm>>) dst(%dma_wait3A_64 : memref<8192xf32, #tpu.memory_space<vmem>>)
    %dma_wait3A_67 = arith.constant 0 : i32
    %dma_wait3A_68 = tpu.memref_slice %arg14[%dma_wait3A_67] : memref<16416xf32, #tpu.memory_space<vmem>> -> memref<8192xf32, #tpu.memory_space<vmem>>
    %dma_wait3A_69 = arith.constant 0 : i32
    %dma_wait3A_70 = tpu.memref_slice %arg4[%dma_wait3A_69] : memref<2097152xf32, #tpu.memory_space<hbm>> -> memref<8192xf32, #tpu.memory_space<hbm>>
    %dma_wait3A_71 = arith.constant 0 : i32
    %dma_wait3A_72 = tpu.memref_slice %arg14[%dma_wait3A_71] : memref<16416xf32, #tpu.memory_space<vmem>> -> memref<8192xf32, #tpu.memory_space<vmem>>
    %dma_wait3A_73 = arith.constant 0 : i32
    %dma_wait3A_74 = tpu.memref_slice %arg4[%dma_wait3A_73] : memref<2097152xf32, #tpu.memory_space<hbm>> -> memref<8192xf32, #tpu.memory_space<hbm>>
    tpu.wait_dma2 semaphore(%arg23 : memref<!tpu.dma_semaphore, #tpu.memory_space<semaphore_mem>>) src(%dma_wait3A_74 : memref<8192xf32, #tpu.memory_space<hbm>>) dst(%dma_wait3A_72 : memref<8192xf32, #tpu.memory_space<vmem>>)
    %dma_wait3A_75 = arith.constant 0 : i32
    %dma_wait3A_76 = tpu.memref_slice %arg15[%dma_wait3A_75] : memref<16416xf32, #tpu.memory_space<vmem>> -> memref<8192xf32, #tpu.memory_space<vmem>>
    %dma_wait3A_77 = arith.constant 0 : i32
    %dma_wait3A_78 = tpu.memref_slice %arg4[%dma_wait3A_77] : memref<2097152xf32, #tpu.memory_space<hbm>> -> memref<8192xf32, #tpu.memory_space<hbm>>
    %dma_wait3A_79 = arith.constant 0 : i32
    %dma_wait3A_80 = tpu.memref_slice %arg15[%dma_wait3A_79] : memref<16416xf32, #tpu.memory_space<vmem>> -> memref<8192xf32, #tpu.memory_space<vmem>>
    %dma_wait3A_81 = arith.constant 0 : i32
    %dma_wait3A_82 = tpu.memref_slice %arg4[%dma_wait3A_81] : memref<2097152xf32, #tpu.memory_space<hbm>> -> memref<8192xf32, #tpu.memory_space<hbm>>
    tpu.wait_dma2 semaphore(%arg23 : memref<!tpu.dma_semaphore, #tpu.memory_space<semaphore_mem>>) src(%dma_wait3A_82 : memref<8192xf32, #tpu.memory_space<hbm>>) dst(%dma_wait3A_80 : memref<8192xf32, #tpu.memory_space<vmem>>)
    "tpu.region"() ({
      %run_scoped3A = tpu.sem_alloc : memref<!tpu.dma_semaphore, #tpu.memory_space<semaphore_mem>>
      %dma_start3A_86 = tpu.memref_slice %arg8[%multiple_of3A] : memref<16384xf32, #tpu.memory_space<hbm>> -> memref<512xf32, #tpu.memory_space<hbm>>
      %dma_start3A_87 = tpu.memref_slice %arg8[%multiple_of3A] : memref<16384xf32, #tpu.memory_space<hbm>> -> memref<512xf32, #tpu.memory_space<hbm>>
      tpu.enqueue_dma source(%arg19 : memref<512xf32, #tpu.memory_space<vmem>>) target(%dma_start3A_87 : memref<512xf32, #tpu.memory_space<hbm>>) target_semaphore(%run_scoped3A : memref<!tpu.dma_semaphore, #tpu.memory_space<semaphore_mem>>)
      %dma_wait3A_88 = tpu.memref_slice %arg8[%multiple_of3A] : memref<16384xf32, #tpu.memory_space<hbm>> -> memref<512xf32, #tpu.memory_space<hbm>>
      %dma_wait3A_89 = tpu.memref_slice %arg8[%multiple_of3A] : memref<16384xf32, #tpu.memory_space<hbm>> -> memref<512xf32, #tpu.memory_space<hbm>>
      tpu.wait_dma2 semaphore(%run_scoped3A : memref<!tpu.dma_semaphore, #tpu.memory_space<semaphore_mem>>) src(%arg19 : memref<512xf32, #tpu.memory_space<vmem>>) dst(%dma_wait3A_89 : memref<512xf32, #tpu.memory_space<hbm>>)
      tpu.yield
    }) : () -> ()
    "tpu.region"() ({
      %run_scoped3A = tpu.sem_alloc : memref<!tpu.dma_semaphore, #tpu.memory_space<semaphore_mem>>
      %dma_start3A_86 = tpu.memref_slice %arg9[%multiple_of3A] : memref<16384xf32, #tpu.memory_space<hbm>> -> memref<512xf32, #tpu.memory_space<hbm>>
      %dma_start3A_87 = tpu.memref_slice %arg9[%multiple_of3A] : memref<16384xf32, #tpu.memory_space<hbm>> -> memref<512xf32, #tpu.memory_space<hbm>>
      tpu.enqueue_dma source(%arg20 : memref<512xf32, #tpu.memory_space<vmem>>) target(%dma_start3A_87 : memref<512xf32, #tpu.memory_space<hbm>>) target_semaphore(%run_scoped3A : memref<!tpu.dma_semaphore, #tpu.memory_space<semaphore_mem>>)
      %dma_wait3A_88 = tpu.memref_slice %arg9[%multiple_of3A] : memref<16384xf32, #tpu.memory_space<hbm>> -> memref<512xf32, #tpu.memory_space<hbm>>
      %dma_wait3A_89 = tpu.memref_slice %arg9[%multiple_of3A] : memref<16384xf32, #tpu.memory_space<hbm>> -> memref<512xf32, #tpu.memory_space<hbm>>
      tpu.wait_dma2 semaphore(%run_scoped3A : memref<!tpu.dma_semaphore, #tpu.memory_space<semaphore_mem>>) src(%arg20 : memref<512xf32, #tpu.memory_space<vmem>>) dst(%dma_wait3A_89 : memref<512xf32, #tpu.memory_space<hbm>>)
      tpu.yield
    }) : () -> ()
    %mul3A_83 = arith.constant 3 : i32
    %mul3A_84 = arith.muli %multiple_of3A, %mul3A_83 : i32
    %multiple_of3A_85 = tpu.assume_multiple %mul3A_84, 8 : i32
    "tpu.region"() ({
      %run_scoped3A = tpu.sem_alloc : memref<!tpu.dma_semaphore, #tpu.memory_space<semaphore_mem>>
      %dma_start3A_86 = tpu.memref_slice %arg10[%multiple_of3A_85] : memref<49152xf32, #tpu.memory_space<hbm>> -> memref<1536xf32, #tpu.memory_space<hbm>>
      %dma_start3A_87 = tpu.memref_slice %arg10[%multiple_of3A_85] : memref<49152xf32, #tpu.memory_space<hbm>> -> memref<1536xf32, #tpu.memory_space<hbm>>
      tpu.enqueue_dma source(%arg21 : memref<1536xf32, #tpu.memory_space<vmem>>) target(%dma_start3A_87 : memref<1536xf32, #tpu.memory_space<hbm>>) target_semaphore(%run_scoped3A : memref<!tpu.dma_semaphore, #tpu.memory_space<semaphore_mem>>)
      %dma_wait3A_88 = tpu.memref_slice %arg10[%multiple_of3A_85] : memref<49152xf32, #tpu.memory_space<hbm>> -> memref<1536xf32, #tpu.memory_space<hbm>>
      %dma_wait3A_89 = tpu.memref_slice %arg10[%multiple_of3A_85] : memref<49152xf32, #tpu.memory_space<hbm>> -> memref<1536xf32, #tpu.memory_space<hbm>>
      tpu.wait_dma2 semaphore(%run_scoped3A : memref<!tpu.dma_semaphore, #tpu.memory_space<semaphore_mem>>) src(%arg21 : memref<1536xf32, #tpu.memory_space<vmem>>) dst(%dma_wait3A_89 : memref<1536xf32, #tpu.memory_space<hbm>>)
      tpu.yield
    }) : () -> ()
    return
  }
}

</mosaic_0001>

<sc_bundles>
// kernel: kernel.3.cloned.1.call-start
scs
__scs_entry_jumppad:
0x0: {  	(pc) =	sbr.rel $0x88, $3  }
0x1: {  	(tag) =	ssettag $0x0;
	lr =	simm.s32 $0x1  }
0x2: {  	[smem:$0x3F9D] =	sst lr;
	_ =	strace $0xD0000000  }
0x3: {  	_ = 	snop  }
0x4: {  	_ = 	snop  }
0x5: {  	_ = 	snop  }
0x6: {  	_ = 	snop  }
0x7: {  	_ = 	snop  }
__scs_overlays_trampoline_lowered:
0x8: {  	[smem:$0x3FAC] =	sst s0  }
0x9: {  	[smem:$0x3FAD] =	sst s1  }
0xa: {  	[smem:$0x3FAE] =	sst s2  }
0xb: {  	[smem:$0x3FAF] =	sst s3  }
0xc: {  	[smem:$0x3FB0] =	sst s4  }
0xd: {  	[smem:$0x3FB1] =	sst s5  }
0xe: {  	[smem:$0x3FB2] =	sst s6  }
0xf: {  	[smem:$0x3FB3] =	sst s7  }
0x10: {  	[smem:$0x3FB4] =	sst s8  }
0x11: {  	[smem:$0x3FB5] =	sst s9;
	s0 =	simm.s32 @!p0 $0x0  }
0x12: {  	s1 =	sld [smem:$0x3F9B];
	s0 =	simm.s32 @p0 $0x1  }
0x13: {  	[smem:$0x3FB6] =	sst s0;
	s0 =	simm.s32 @!p1 $0x0  }
0x14: {  	s2 =	sld [smem:$0x3F9A];
	s0 =	simm.s32 @p1 $0x1  }
0x15: {  	[smem:$0x3FB7] =	sst s0;
	s0 =	simm.s32 @!p2 $0x0  }
0x16: {  	s3 =	sld [smem:$0x3FDB];
	s0 =	simm.s32 @p2 $0x1  }
0x17: {  	s4 =	simm.s32 $0x1BF5;
	[smem:$0x3FB9] =	sst s0  }
0x18: {  	s0 =	sld [smem:$0x3F9C];
	_ =	swait.ge [sflag:s4], $0x0  }
0x19: {  	s7 =	sld [smem:$0x3F9D]  }
0x1a: {  	s8 =	sadd.s32 $0xFFFFE003, lr  }
0x1b: {  	s9 =	sadd.s32 $0xFFFFFEF7, lr;
	s5 =	simm.s32 $0xFFFFFFFF;
	p2 =	slt.u32 s8, $0xFFFFF086  }
0x1c: {  	p1 =	slt.u32 s9, $0xF7A;
	s5 =	simm.s32 @!p2 $0x0  }
0x1d: {  	s5 =	simm.s32 @p1 $0x1;
	p0 =	seq.s32 s7, s2  }
0x1e: {  	s7 =	smul.u32 @!p0 $0xF7A, s2;
	p2 =	seq.s32 @!p0 s5, $0x0  }
0x1f: {  	s9 =	smul.u32 $0xF7A, s1;
	s8 =	simm.s32 @!p0 $0x1BF5;
	p2 =	por !p2, p0  }
0x20: {  	[sflag:s8] =	ssyncset.s32 @!p0 $0xFFFFF086;
	s6 =	sadd.s32 @!p0 s3, s7;
	s7 =	simm.s32 @!p0 $0x108  }
0x21: {  	s3 =	sadd.s32 s3, s9;
	s6 =	sadd.s32 @!p0 $0x88, s6;
	s7 =	simm.s32 @p2 $0x1082  }
0x22: {  	[simem:s7], [sflag:s8] =	dma.local @!p0 [hbm:s6], $0xF7A  }
0x23: {  	s9 =	sor.u32 $0xD0000000, s2;
	s6 =	simm.s32 $0x108;
	_ =	swait.ge @!p0 [sflag:s8], $0x0  }
0x24: {  	s3 =	sadd.s32 $0x88, s3;
	s6 =	simm.s32 @!p1 $0x1082;
	[sflag:s4] =	ssyncset.s32 $0xFFFFF086  }
0x25: {  	[simem:s6], [sflag:s4] =	dma.local [hbm:s3], $0xF7A  }
0x26: {  	[smem:$0x3F9D] =	sst s1;
	(tag) =	ssettag s2;
	_ =	strace s9  }
0x27: {  	s1 =	sld [smem:$0x3FAD]  }
0x28: {  	s2 =	sld [smem:$0x3FAE]  }
0x29: {  	s4 =	sld [smem:$0x3FB0]  }
0x2a: {  	p0 =	seq.s32 s5, $0x0;
	s5 =	sld [smem:$0x3FB1]  }
0x2b: {  	s6 =	sld [smem:$0x3FB2]  }
0x2c: {  	s7 =	sld [smem:$0x3FB3]  }
0x2d: {  	s3 =	simm.s32 $0x108;
	s8 =	sld [smem:$0x3FB4]  }
0x2e: {  	s3 =	simm.s32 @!p0 $0x1082;
	s9 =	sld [smem:$0x3FB5]  }
0x2f: {  	lr =	sadd.s32 s0, s3;
	s0 =	sld [smem:$0x3FAC]  }
0x30: {  	s3 =	sld [smem:$0x3FAF]  }
0x31: {  	[smem:$0x3FB8] =	sst s10  }
0x32: {  	s10 =	sld [smem:$0x3FB6];
	_ =	sdelay $0x3  }
0x33: {  	p0 =	seq.s32 s10, $0x1;
	s10 =	sld [smem:$0x3FB8];
	_ =	sdelay $0x3  }
0x34: {  	[smem:$0x3FB8] =	sst s10  }
0x35: {  	s10 =	sld [smem:$0x3FB7];
	_ =	sdelay $0x3  }
0x36: {  	p1 =	seq.s32 s10, $0x1;
	s10 =	sld [smem:$0x3FB8];
	_ =	sdelay $0x3  }
0x37: {  	[smem:$0x3FB8] =	sst s10  }
0x38: {  	s10 =	sld [smem:$0x3FB9]  }
0x39: {  	_ = 	snop;
	(pc) =	sbr.ind lr, $3  }
0x3a: {  	_ = 	snop  }
0x3b: {  	_ = 	snop  }
0x3c: {  	p2 =	seq.s32 s10, $0x1;
	s10 =	sld [smem:$0x3FB8]  }
0x3d: {  	_ =	shalt  }
0x3e: {  	_ =	shalt  }
0x3f: {  	_ =	shalt  }
0x40: {  	_ =	shalt  }
0x41: {  	_ =	shalt  }
0x42: {  	_ =	shalt  }
0x43: {  	_ =	shalt  }
0x44: {  	_ =	shalt  }
0x45: {  	_ =	shalt  }
0x46: {  	_ =	shalt  }
0x47: {  	_ =	shalt  }
0x48: {  	_ =	shalt  }
0x49: {  	_ =	shalt  }
0x4a: {  	_ =	shalt  }
0x4b: {  	_ =	shalt  }
0x4c: {  	_ =	shalt  }
0x4d: {  	_ =	shalt  }
0x4e: {  	_ =	shalt  }
0x4f: {  	_ =	shalt  }
0x50: {  	_ =	shalt  }
0x51: {  	_ =	shalt  }
0x52: {  	_ =	shalt  }
0x53: {  	_ =	shalt  }
0x54: {  	_ =	shalt  }
0x55: {  	_ =	shalt  }
0x56: {  	_ =	shalt  }
0x57: {  	_ =	shalt  }
0x58: {  	_ =	shalt  }
0x59: {  	_ =	shalt  }
0x5a: {  	_ =	shalt  }
0x5b: {  	_ =	shalt  }
0x5c: {  	_ =	shalt  }
0x5d: {  	_ =	shalt  }
0x5e: {  	_ =	shalt  }
0x5f: {  	_ =	shalt  }
0x60: {  	_ =	shalt  }
0x61: {  	_ =	shalt  }
0x62: {  	_ =	shalt  }
0x63: {  	_ =	shalt  }
0x64: {  	_ =	shalt  }
0x65: {  	_ =	shalt  }
0x66: {  	_ =	shalt  }
0x67: {  	_ =	shalt  }
0x68: {  	_ =	shalt  }
0x69: {  	_ =	shalt  }
0x6a: {  	_ =	shalt  }
0x6b: {  	_ =	shalt  }
0x6c: {  	_ =	shalt  }
0x6d: {  	_ =	shalt  }
0x6e: {  	_ =	shalt  }
0x6f: {  	_ =	shalt  }
0x70: {  	_ =	shalt  }
0x71: {  	_ =	shalt  }
0x72: {  	_ =	shalt  }
0x73: {  	_ =	shalt  }
0x74: {  	_ =	shalt  }
0x75: {  	_ =	shalt  }
0x76: {  	_ =	shalt  }
0x77: {  	_ =	shalt  }
0x78: {  	_ =	shalt  }
0x79: {  	_ =	shalt  }
0x7a: {  	_ =	shalt  }
0x7b: {  	_ =	shalt  }
0x7c: {  	_ =	shalt  }
0x7d: {  	_ =	shalt  }
0x7e: {  	_ =	shalt  }
0x7f: {  	_ =	shalt  }
0x80: {  	_ =	shalt  }
0x81: {  	_ =	shalt  }
0x82: {  	_ =	shalt  }
0x83: {  	_ =	shalt  }
0x84: {  	_ =	shalt  }
0x85: {  	_ =	shalt  }
0x86: {  	_ =	shalt  }
0x87: {  	_ =	shalt  }
.Lfunc_end0:
.L_simem_size_0:
called_computation_lowered:
.L_overlay_start_0:
0x88: {  	s2 =	sld [smem:$0x3FD9]  }
0x89: {  	s3 =	sld [smem:$0x3FFE];
	_ =	sdelay $0x1  }
0x8a: {  	s1 =	srdreg.scid  }
0x8b: {  	s0 =	sand.u32 $0x1, s1  }
0x8c: {  	s14 =	sshll.u32 s0, $0xA;
	s2 =	sadd.s32 s3, s2  }
0x8d: {  	s2 =	sadd.s32 s2, s14  }
0x8e: {  	[smem:$0x3FC4] =	sst s2  }
0x8f: {  	_ = 	snop  }
0x90: {  	s2 =	sld [smem:$0x3FD0];
	_ =	sdelay $0x1  }
0x91: {  	s15 =	sld [smem:$0x3FC9]  }
0x92: {  	s5 =	simm.s32 $0xA;
	s6 =	simm.s32 $0x10;
	s4 =	sld [smem:$0x3FC8]  }
0x93: {  	[smem:s6], [sflag:s5] =	dma.local [hbm:s2], $0x1  }
0x94: {  	_ =	swait.eq [sflag:s5], $0x1  }
0x95: {  	s16 =	sld [smem:$0x10];
	[sflag:s5] =	ssyncset.done $0x0  }
0x96: {  	s17 =	sld [smem:$0x11];
	[sflag:s5] =	ssyncadd.s32 $0xFFFFFFFF  }
0x97: {  	s18 =	sld [smem:$0x12];
	(tm) =	ssettm $0x1  }
0x98: {  	s7 =	sld [smem:$0x3FFB];
	_ =	sdelay $0x3  }
0x99: {  	_ =	strace s7  }
0x9a: {  	s7 =	sld [smem:$0x3FFC];
	_ =	sdelay $0x3  }
0x9b: {  	_ =	strace s7  }
0x9c: {  	s7 =	sld [smem:$0x3FFD];
	_ =	sdelay $0x3  }
0x9d: {  	_ =	strace s7  }
0x9e: {  	_ =	strace $0x8FFFFFFF  }
0x9f: {  	s19 =	sld [smem:$0x3FDB];
	_ =	sdelay $0x1  }
0xa0: {  	s8 =	simm.s32 $_scs_section_size  }
0xa1: {  	s9 =	simm.s32 $_size__tile_overlayer_lowered;
	s10 =	simm.s32 $_tile_overlayer_lowered  }
0xa2: {  	s22 =	simm.s32 $0x1BFF;
	s21 =	sshll.u32 s10, $0x1;
	s7 =	sadd.s32 s8, s19  }
0xa3: {  	s11 =	simm.s32 $0x0;
	s20 =	sshll.u32 s9, $0x1;
	s9 =	sadd.s32 s21, s7  }
0xa4: {  	[timem:s11], [sflag:s22] =	dma.local [hbm:s9], s20  }
0xa5: {  	_ =	swait.ge [sflag:s22], s20  }
0xa6: {  	s8 =	ssub.s32 $0x0, s20;
	[sflag:s22] =	ssyncset.done $0x0  }
0xa7: {  	[sflag:s22] =	ssyncadd.s32 s8;
	_ =	sdelay $0x1  }
0xa8: {  	s23 =	simm.s32 $0x1B8B  }
0xa9: {  	_ =	swait.ge [sflag:s23], $0x1  }
0xaa: {  	[sflag:s23] =	ssyncset.done $0x0  }
0xab: {  	s25 =	simm.s32 $0x1B8E;
	s24 =	sld [smem:$0x3FFE];
	[sflag:s23] =	ssyncadd.s32 $0xFFFFFFFF  }
0xac: {  	s26 =	simm.s32 $execute0_lowered;
	[smem:$0x3FD2] =	sst s25  }
0xad: {  	s9 =	sshll.u32 s26, $0x1;
	_ =	strace $0x80000046;
	[dreg:$0x1] =	wrdreg $0xFFFFFFFF  }
0xae: {  	s28 =	simm.s32 $_size_execute0_lowered;
	s7 =	sadd.s32 s7, s9;
	[dreg:$0x0] =	wrdreg $0x0  }
0xaf: {  	s9 =	sshll.u32 s28, $0x1;
	[dreg:$0x2] =	wrdreg s7  }
0xb0: {  	[dreg:$0x3] =	wrdreg s9  }
0xb1: {  	[dreg:$0x4] =	wrdreg $0xC0  }
0xb2: {  	_ =	task [dreg:s11], $0x5FFFF  }
0xb3: {  	[dreg:$0x1] =	wrdreg $0xFFFFFFFF  }
0xb4: {  	[dreg:$0x0] =	wrdreg $0x60  }
0xb5: {  	[dreg:$0x2] =	wrdreg s15  }
0xb6: {  	[dreg:$0x3] =	wrdreg s4  }
0xb7: {  	[dreg:$0x4] =	wrdreg s24  }
0xb8: {  	[dreg:$0x5] =	wrdreg s17  }
0xb9: {  	[dreg:$0x6] =	wrdreg s18  }
0xba: {  	[dreg:$0x7] =	wrdreg s16  }
0xbb: {  	[dreg:$0x8] =	wrdreg $0x9  }
0xbc: {  	_ =	task.clear_ibuf [dreg:s11], $0x9FFFF;
	_ =	strace $0x90000046  }
0xbd: {  	s29 =	simm.s32 $0x9;
	_ =	strace $0x80000048  }
0xbe: {  	_ =	swait.ge [sflag:s29], $0x1  }
0xbf: {  	[sflag:s29] =	ssyncadd.s32 $0xFFFFFFFF  }
0xc0: {  	_ =	strace $0x90000048  }
0xc1: {  	_ =	sfence  }
0xc2: {  	s30 =	sld [smem:$0x0];
	_ =	sdelay $0x2  }
0xc3: {  	s31 =	sshll.u32 s1, $0xD;
	s1 =	sshrl.u32 s1, $0x2  }
0xc4: {  	s3 =	sand.u32 $0x4000, s31;
	s1 =	sadd.s32 s1, s30  }
0xc5: {  	s0 =	sor.u32 s3, s0;
	s1 =	sshll.u32 s1, $0x11  }
0xc6: {  	s0 =	sor.u32 s1, s0  }
0xc7: {  	s0 =	sadd.s32 $0x8F2B, s0  }
0xc8: {  	[sflag:s0] =	ssyncadd.remote.s32 $0x1  }
0xc9: {  	_ =	sfence.sel $0xFFFF  }
0xca: {  	[dreg:$0x0] =	wrdreg $0xFFFFFFFF;
	(pc) =	sbr.abs _section_cstart, $3  }
0xcb: {  	[dreg:$0x1] =	wrdreg $0xFFFFFFFF  }
0xcc: {  	_ =	task.clear_ibuf [dreg:s11], $0x2FFFF;
	_ =	strace $0x9FFFFFFF  }
0xcd: {  	(tm) =	ssettm $0x7FFFFFFF  }
tec
execute0_lowered:
.L_overlay_start_1:
0x0: {  	(tag) =	ssettag $0x1  }
0x1: {  	s14 =	rddreg [dreg:$0x0]  }
0x2: {  	s19 =	rddreg [dreg:$0x1]  }
0x3: {  	s0 =	rddreg [dreg:$0x2]  }
0x4: {  	s1 =	rddreg [dreg:$0x3]  }
0x5: {  	s2 =	rddreg [dreg:$0x4]  }
0x6: {  	s3 =	rddreg [dreg:$0x5];
	s4 =	srdreg.scid;
	s22 =	simm.s32 $0x0  }
0x7: {  	s5 =	stileid.u32;
	s13 =	simm.s32 $0x18280;
	s20 =	simm.s32 $0x2  }
0x8: {  	s4 =	sand.u32 $0x1, s4;
	[smem:$0x7FF] =	sst s22;
	s5 =	sshll.u32 s5, $0xA  }
0x9: {  	s23 =	sadd.s32 $0x80C00, s0;
	s24 =	sadd.s32 $0x40C00, s0;
	s6 =	sshll.u32 s4, $0x9  }
0xa: {  	_ =	strace $0x80000047;
	[dreg:$0x7] =	wrdreg s23;
	s5 =	sor.u32 s6, s5  }
0xb: {  	s4 =	ssub.s32 $0x2, s4;
	[dreg:$0x8] =	wrdreg s24;
	s6 =	sshrl.u32 s5, $0x3  }
0xc: {  	s8 =	sshrl.u32 s4, $0x1;
	s7 =	sadd.s32 s6, s0;
	s0 =	sadd.s32 $0xC00, s0  }
0xd: {  	s5 =	smul.u32 $0x3, s5;
	s1 =	sadd.s32 s1, s6;
	[dreg:$0x9] =	wrdreg s0  }
.Ltmp0:
0xe: {  	s30 =	sadd.s32 s2, s6;
	[dreg:$0xb] =	wrdreg s1;
	(pc) =	sbr.rel .LBB2_1-.Ltmp0, $4  }
0xf: {  	s28 =	ssub.s32 s4, s8;
	s29 =	sadd.s32 $0xC0C00, s7;
	[dreg:$0xc] =	wrdreg s30  }
0x10: {  	s31 =	sshrl.u32 s5, $0x3;
	s0 =	smax.u32 s28, $0x1;
	[dreg:$0xa] =	wrdreg s29  }
0x11: {  	s21 =	simm.s32 $0x16200;
	s1 =	sadd.s32 s3, s31;
	[dreg:$0xe] =	wrdreg s0  }
0x12: {  	v0 =	vimm.s32 $0x1;
	v1 =	vimm.s32 $0x2000;
	v2 =	vlaneseq.u32;
	s2 =	simm.s32 $0x0;
	[dreg:$0xd] =	wrdreg s1;
	s1 =	simm.s32 $0x3  }
.LBB2_22:
0x13: {  	s0 =	simm.s32 $0x1  }
0x14: {  	_ =	swait.ge [sflag:s0], $0x2000  }
0x15: {  	[sflag:s0] =	ssyncset.done $0x0  }
0x16: {  	[sflag:s0] =	ssyncadd.s32 $0xFFFFE000  }
0x17: {  	_ =	swait.ge [sflag:s0], $0x2000  }
0x18: {  	[sflag:s0] =	ssyncset.done $0x0  }
0x19: {  	[sflag:s0] =	ssyncadd.s32 $0xFFFFE000  }
0x1a: {  	_ =	swait.ge [sflag:s20], $0x2000  }
0x1b: {  	[sflag:s20] =	ssyncset.done $0x0  }
0x1c: {  	[sflag:s20] =	ssyncadd.s32 $0xFFFFE000  }
0x1d: {  	_ =	swait.ge [sflag:s20], $0x2000  }
0x1e: {  	[sflag:s20] =	ssyncset.done $0x0  }
0x1f: {  	[sflag:s20] =	ssyncadd.s32 $0xFFFFE000  }
0x20: {  	_ =	swait.ge [sflag:s20], $0x2000  }
0x21: {  	[sflag:s20] =	ssyncset.done $0x0  }
0x22: {  	s1 =	simm.s32 $0x18500;
	s25 =	rddreg [dreg:$0xb];
	[sflag:s20] =	ssyncadd.s32 $0xFFFFE000  }
0x23: {  	[hbm4b:s25+s22] =	stream.linear.scatter [tilespmem:s1], [sflag:$0x3], $0x200, $0x38;
	[tilespmem:$0x18F00] =	vst v63  }
0x24: {  	s1 =	simm.s32 $0x3  }
0x25: {  	_ =	swait.ge [sflag:s1], $0x200  }
0x26: {  	[sflag:s1] =	ssyncset.done $0x0  }
0x27: {  	s2 =	simm.s32 $0x18700;
	s26 =	rddreg [dreg:$0xc];
	[sflag:s1] =	ssyncadd.s32 $0xFFFFFE00  }
0x28: {  	[hbm4b:s26+s22] =	stream.linear.scatter [tilespmem:s2], [sflag:$0x3], $0x200, $0x38;
	[tilespmem:$0x18F00] =	vst v63  }
0x29: {  	_ =	swait.ge [sflag:s1], $0x200  }
0x2a: {  	[sflag:s1] =	ssyncset.done $0x0  }
0x2b: {  	s29 =	simm.s32 $0x18900;
	s28 =	rddreg [dreg:$0xd];
	[sflag:s1] =	ssyncadd.s32 $0xFFFFFE00  }
0x2c: {  	[hbm4b:s28+s22] =	stream.linear.scatter [tilespmem:s29], [sflag:$0x3], $0x600, $0x38;
	[tilespmem:$0x18F00] =	vst v63  }
0x2d: {  	_ =	swait.ge [sflag:s1], $0x600  }
0x2e: {  	s30 =	rddreg [dreg:$0xf]  }
0x2f: {  	s31 =	rddreg [dreg:$0xe];
	s2 =	sadd.s32 $0x1, s30  }
0x30: {  	p0 =	sne.s32 s2, s31  }
.Ltmp1:
0x31: {  	_ = 	snop;
	(pc) =	sbr.rel @!p0 .LBB2_23-.Ltmp1, $3  }
0x32: {  	_ =	sdelay $0x1  }
0x33: {  	[sflag:s1] =	ssyncset.done $0x0  }
0x34: {  	[sflag:s1] =	ssyncadd.s32 $0xFFFFFA00  }
.LBB2_1:
0x35: {  	[dreg:$0xf] =	wrdreg s2  }
0x36: {  	s0 =	rddreg [dreg:$0xa]  }
0x37: {  	[tilespmem:s13], [sflag:$0x3] =	stream.linear.gather [hbm4b:s0+s22], $0x210, $0x38;
	[tilespmem:$0x18F00] =	vst v63  }
0x38: {  	_ =	swait.ge [sflag:s1], $0x210  }
0x39: {  	[sflag:s1] =	ssyncset.done $0x0  }
0x3a: {  	[sflag:s1] =	ssyncadd.s32 $0xFFFFFDF0  }
0x3b: {  	v3 =	vld.msk [tilespmem:s13+$0x0], $0xffff;
	_ =	sdelay $0x4  }
0x3c: {  	(v2sf) =	vpush v3, $0x0;
	_ =	sdelay $0xe  }
0x3d: {  	s18 =	spop (v2sf)  }
0x3e: {  	s0 =	sand.u32 $0xFFFFFFF8, s18  }
0x3f: {  	p0 =	slt.s32 s0, $0x1FE000  }
0x40: {  	s0 =	simm.s32 @!p0 $0x1FE000  }
0x41: {  	s0 =	sshrl.u32 s0, $0x3  }
0x42: {  	s12 =	sadd.s32 s14, s0  }
0x43: {  	[tilespmem:s22], [sflag:$0x1] =	stream.linear.gather [hbm4b:s12+s22], $0x2000, $0x38;
	[tilespmem:$0x18F00] =	vst v63  }
0x44: {  	s16 =	simm.s32 $0x4000;
	s15 =	sadd.s32 s19, s0  }
0x45: {  	[tilespmem:s16], [sflag:$0x1] =	stream.linear.gather [hbm4b:s15+s22], $0x2000, $0x38;
	[tilespmem:$0x18F00] =	vst v63  }
0x46: {  	s25 =	simm.s32 $0x8000;
	s17 =	sadd.s32 s23, s0  }
0x47: {  	[tilespmem:s25], [sflag:$0x2] =	stream.linear.gather [hbm4b:s17+s22], $0x2000, $0x38;
	[tilespmem:$0x18F00] =	vst v63  }
0x48: {  	s28 =	simm.s32 $0xC080;
	s30 =	rddreg [dreg:$0x9];
	s26 =	sadd.s32 s24, s0  }
0x49: {  	[tilespmem:s28], [sflag:$0x2] =	stream.linear.gather [hbm4b:s26+s22], $0x2000, $0x38;
	[tilespmem:$0x18F00] =	vst v63  }
0x4a: {  	s31 =	simm.s32 $0x10100;
	s0 =	sadd.s32 s30, s0  }
0x4b: {  	[tilespmem:s31], [sflag:$0x2] =	stream.linear.gather [hbm4b:s0+s22], $0x2000, $0x38;
	[tilespmem:$0x18F00] =	vst v63  }
0x4c: {  	v3 =	vld.idx.msk [tilespmem:v0+s13+$0x0], $0xffff;
	_ =	sdelay $0x4  }
0x4d: {  	(v2sf) =	vpush v3, $0x0;
	_ =	sdelay $0xa  }
.Ltmp2:
0x4e: {  	_ = 	snop;
	(pc) =	sbr.rel .LBB2_3-.Ltmp2, $3  }
0x4f: {  	_ =	sdelay $0x1  }
0x50: {  	v4 =	vimm.f32 $0.0e+00;
	s29 =	simm.s32 $0x0  }
0x51: {  	v5 =	vimm.f32 $0.0e+00;
	v6 =	vimm.f32 $0.0e+00;
	s16 =	simm.s32 $0x0;
	s15 =	simm.f32 $0.0e+00;
	v3 =	vimm.f32 $0.0e+00;
	s26 =	spop (v2sf)  }
.LBB2_14:
0x52: {  	s14 =	rddreg [dreg:$0x0]  }
0x53: {  	s3 =	smov.u32 @p1 s3;
	s29 =	smov.u32 @p1 s29;
	s19 =	rddreg [dreg:$0x1]  }
0x54: {  	v6 =	vpsel p1, v6, v6;
	s26 =	smov.u32 @p1 s26;
	s15 =	smov.u32 @p1 s15;
	s23 =	rddreg [dreg:$0x7]  }
0x55: {  	v5 =	vpsel p1, v5, v5;
	v4 =	vpsel p1, v4, v4;
	v3 =	vpsel p1, v3, v3;
	s22 =	simm.s32 $0x0;
	s24 =	rddreg [dreg:$0x8];
	s18 =	smov.u32 s3  }
.LBB2_2:
0x56: {  	p0 =	sgt.s32 s29, $0x1FF  }
.Ltmp3:
0x57: {  	_ = 	snop;
	(pc) =	sbr.rel @p0 .LBB2_22-.Ltmp3, $1  }
0x58: {  	_ =	sdelay $0x3  }
.LBB2_3:
0x59: {  	s0 =	simm.s32 $0x1  }
0x5a: {  	_ =	swait.ge [sflag:s0], $0x2000  }
0x5b: {  	[sflag:s0] =	ssyncset.done $0x0  }
0x5c: {  	[sflag:s0] =	ssyncadd.s32 $0xFFFFE000  }
0x5d: {  	_ =	swait.ge [sflag:s0], $0x2000  }
0x5e: {  	[sflag:s0] =	ssyncset.done $0x0  }
0x5f: {  	[sflag:s0] =	ssyncadd.s32 $0xFFFFE000  }
0x60: {  	_ =	swait.ge [sflag:s20], $0x2000  }
0x61: {  	s31 =	sand.u32 $0xFFFFFFF8, s18;
	[sflag:s20] =	ssyncset.done $0x0  }
0x62: {  	p0 =	slt.s32 s31, $0x1FE000;
	[sflag:s20] =	ssyncadd.s32 $0xFFFFE000  }
0x63: {  	s31 =	simm.s32 @!p0 $0x1FE000;
	_ =	swait.ge [sflag:s20], $0x2000  }
0x64: {  	s0 =	sadd.s32 $0x2000, s31;
	[sflag:s20] =	ssyncset.done $0x0  }
0x65: {  	p0 =	slt.s32 s0, $0x1FE000;
	s1 =	smov.u32 s0;
	[sflag:s20] =	ssyncadd.s32 $0xFFFFE000  }
0x66: {  	s30 =	smov.u32 s16;
	s1 =	simm.s32 @!p0 $0x1FE000;
	_ =	swait.ge [sflag:s20], $0x2000  }
0x67: {  	s16 =	sxor.u32 $0x1, s16;
	s1 =	sshrl.u32 s1, $0x3;
	[sflag:s20] =	ssyncset.done $0x0  }
0x68: {  	s2 =	sshll.u32 s16, $0xD;
	s3 =	sadd.s32 s14, s1;
	[sflag:s20] =	ssyncadd.s32 $0xFFFFE000  }
0x69: {  	[tilespmem:s2], [sflag:$0x1] =	stream.linear.gather [hbm4b:s3+s22], $0x2000, $0x38;
	[tilespmem:$0x18F00] =	vst v63  }
0x6a: {  	s7 =	smul.u32 $0x2010, s16;
	s4 =	sadd.s32 s19, s1;
	s2 =	sadd.s32 $0x4000, s2  }
0x6b: {  	[tilespmem:s2], [sflag:$0x1] =	stream.linear.gather [hbm4b:s4+s22], $0x2000, $0x38;
	[tilespmem:$0x18F00] =	vst v63  }
0x6c: {  	s8 =	sadd.s32 $0x8000, s7;
	s9 =	sadd.s32 s23, s1  }
0x6d: {  	[tilespmem:s8], [sflag:$0x2] =	stream.linear.gather [hbm4b:s9+s22], $0x2000, $0x38;
	[tilespmem:$0x18F00] =	vst v63  }
0x6e: {  	s10 =	sadd.s32 $0xC080, s7;
	s11 =	sadd.s32 s24, s1;
	s17 =	rddreg [dreg:$0x9]  }
0x6f: {  	[tilespmem:s10], [sflag:$0x2] =	stream.linear.gather [hbm4b:s11+s22], $0x2000, $0x38;
	[tilespmem:$0x18F00] =	vst v63  }
0x70: {  	s25 =	sshll.u32 s30, $0xF;
	s12 =	sadd.s32 $0x10100, s7;
	s1 =	sadd.s32 s17, s1  }
0x71: {  	[tilespmem:s12], [sflag:$0x2] =	stream.linear.gather [hbm4b:s1+s22], $0x2000, $0x38;
	[tilespmem:$0x18F00] =	vst v63  }
0x72: {  	s1 =	sshra.s32 s25, $0x2  }
0x73: {  	s28 =	sadd.s32 $0x4040, s1  }
0x74: {  	v7 =	vld [tilespmem:s28+$0xFFFFFFC0]  }
0x75: {  	v8 =	vld [tilespmem:s28+$0x30]  }
0x76: {  	v9 =	vld [tilespmem:s28+$0xFFFFFFF0]  }
0x77: {  	s1 =	sor.u32 $0x40, s1;
	v10 =	vld [tilespmem:s28+$0x20]  }
0x78: {  	v11 =	vld [tilespmem:s1+$0x30]  }
0x79: {  	v12 =	vld [tilespmem:s28+$0x10]  }
0x7a: {  	v13 =	vld [tilespmem:s1+$0x20]  }
0x7b: {  	v14 =	vld [tilespmem:s28+$0xFFFFFFD0]  }
0x7c: {  	v15 =	vld [tilespmem:s1+$0xFFFFFFF0]  }
0x7d: {  	v16 =	vld [tilespmem:s1+$0x10]  }
0x7e: {  	v19 =	vld [tilespmem:s1+$0xFFFFFFC0]  }
0x7f: {  	v17 =	vld [tilespmem:s28+$0xFFFFFFE0]  }
0x80: {  	v8 =	vmul.f32 v8, v11;
	v11 =	vld [tilespmem:s1+$0xFFFFFFD0]  }
0x81: {  	v10 =	vmul.f32 v10, v13;
	v13 =	vld [tilespmem:s1+$0xFFFFFFE0]  }
0x82: {  	v9 =	vmul.f32 v9, v15;
	v18 =	vmul.f32 $1.442695020e+00, v8  }
0x83: {  	v7 =	vmul.f32 v7, v19;
	v15 =	vmul.f32 $1.442695020e+00, v10  }
0x84: {  	(erf) = vpow2.f32 v18;
	v18 =	vmul.f32 v12, v16;
	v12 =	vld [tilespmem:s28+$0x0]  }
0x85: {  	v16 =	vmul.f32 $1.442695020e+00, v9;
	(erf) = vpow2.f32 v15;
	v15 =	vld [tilespmem:s1+$0x0]  }
0x86: {  	v11 =	vmul.f32 v14, v11;
	v14 =	vmul.f32 v17, v13  }
0x87: {  	v13 =	vmul.f32 $1.442695020e+00, v18;
	(erf) = vpow2.f32 v16  }
0x88: {  	v16 =	vmul.f32 $1.442695020e+00, v14;
	v17 =	vmul.f32 $1.442695020e+00, v11  }
0x89: {  	(erf) = vpow2.f32 v13;
	v13 =	vmul.f32 $1.442695020e+00, v7  }
0x8a: {  	(erf) = vpow2.f32 v16;
	v20 =	vmul.f32 v12, v15  }
0x8b: {  	(erf) = vpow2.f32 v13;
	v12 =	vsub.f32 $0.0e+00, v11  }
0x8c: {  	(erf) = vpow2.f32 v17;
	v13 =	vsub.f32 $0.0e+00, v20  }
0x8d: {  	v12 =	vmul.f32 $1.442695020e+00, v12  }
0x8e: {  	v15 =	vsub.f32 $0.0e+00, v14;
	v13 =	vmul.f32 $1.442695020e+00, v13  }
0x8f: {  	s2 =	sadd.s32 $0x80, s28;
	v16 =	vsub.f32 $0.0e+00, v9;
	v17 =	vpop (erf);
	(erf) = vpow2.f32 v12;
	v12 =	vsub.f32 $0.0e+00, v10  }
0x90: {  	v23 =	vld [tilespmem:s2+$0xFFFFFFC0];
	v15 =	vmul.f32 $1.442695020e+00, v15;
	v19 =	vpop (erf);
	(erf) = vpow2.f32 v13  }
0x91: {  	v22 =	vld [tilespmem:s2+$0x30];
	v21 =	vpop (erf);
	v13 =	vmul.f32 $1.442695020e+00, v16;
	v12 =	vmul.f32 $1.442695020e+00, v12  }
0x92: {  	v25 =	vld [tilespmem:s2+$0xFFFFFFF0];
	(erf) = vpow2.f32 v15;
	v24 =	vpop (erf);
	v15 =	vmul.f32 $1.442695020e+00, v20  }
0x93: {  	s4 =	sadd.s32 $0x80, s1;
	v27 =	vld [tilespmem:s2+$0x20];
	v26 =	vpop (erf);
	(erf) = vpow2.f32 v13;
	v13 =	vmul.f32 $1.000000010e-07, v19  }
0x94: {  	v28 =	vld [tilespmem:s4+$0x30];
	v19 =	vpop (erf);
	(erf) = vpow2.f32 v12;
	v12 =	vmul.f32 $1.000000010e-07, v21  }
0x95: {  	v62 =	vld [tilespmem:s4+$0xFFFFFFC0];
	v21 =	vpop (erf);
	(erf) = vpow2.f32 v15;
	v16 =	vsub.f32 v13, v10;
	v10 =	vsub.f32 $0.0e+00, v18  }
0x96: {  	v29 =	vld [tilespmem:s2+$0x10];
	v19 =	vmul.f32 $1.000000010e-07, v19;
	v13 =	vmul.f32 $1.000000010e-07, v21  }
0x97: {  	v31 =	vld [tilespmem:s4+$0x10];
	v15 =	vsub.f32 v12, v9;
	v12 =	vmul.f32 $1.442695020e+00, v10;
	v10 =	vsub.f32 $0.0e+00, v7  }
0x98: {  	v21 =	vld [tilespmem:s4+$0x20];
	v7 =	vsub.f32 v19, v7  }
0x99: {  	v33 =	vld [tilespmem:s2+$0x0];
	(xrf2) =	vadd.scan.msk.f32 $0xffff, v16;
	v19 =	vsub.f32 $0.0e+00, v8;
	v13 =	vsub.f32 v13, v11;
	v10 =	vmul.f32 $1.442695020e+00, v10  }
0x9a: {  	v28 =	vmul.f32 v22, v28;
	v23 =	vmul.f32 v23, v62;
	v11 =	vld [tilespmem:s4+$0xFFFFFFF0];
	v30 =	vpop (erf);
	(xrf2) =	vadd.scan.msk.f32 $0xffff, v15  }
0x9b: {  	v34 =	vld [tilespmem:s2+$0xFFFFFFE0];
	v22 =	vmul.f32 $1.000000010e-07, v26;
	v19 =	vmul.f32 $1.442695020e+00, v19;
	v32 =	vpop (erf);
	(xrf2) =	vadd.scan.msk.f32 $0xffff, v13  }
0x9c: {  	v36 =	vld [tilespmem:s4+$0xFFFFFFD0];
	v35 =	vmul.f32 $1.442695020e+00, v28;
	v17 =	vmul.f32 $1.000000010e-07, v17;
	v26 =	vpop (erf);
	(xrf2) =	vadd.scan.msk.f32 $0xffff, v7  }
0x9d: {  	v9 =	vld [tilespmem:s2+$0xFFFFFFD0];
	v14 =	vsub.f32 v22, v14;
	(erf) = vpow2.f32 v10;
	v27 =	vmul.f32 v27, v21;
	v10 =	vpop (erf)  }
0x9e: {  	v39 =	vld [tilespmem:s4+$0xFFFFFFE0];
	v24 =	vmul.f32 $1.000000010e-07, v24;
	(erf) = vpow2.f32 v19;
	v38 =	vpop (erf)  }
0x9f: {  	v37 =	vld [tilespmem:s4+$0x0];
	(xrf2) =	vadd.scan.msk.f32 $0xffff, v14;
	v11 =	vmul.f32 v25, v11;
	v21 =	vmul.f32 $1.442695020e+00, v27;
	v19 =	vpop (erf)  }
0xa0: {  	(erf) = vpow2.f32 v35;
	v22 =	vmul.f32 $1.000000010e-07, v19  }
0xa1: {  	v17 =	vsub.f32 v17, v8;
	v8 =	vmul.f32 $1.442695020e+00, v11;
	v19 =	vmul.f32 v29, v31  }
0xa2: {  	(erf) = vpow2.f32 v21;
	v31 =	vmul.f32 v9, v36;
	v22 =	vsub.f32 v22, v20  }
0xa3: {  	v29 =	vsub.f32 $1.000000000e+00, v32;
	v32 =	vmul.f32 v34, v39;
	v20, _, _ =	vpop (xrf2);
	v9 =	vmul.f32 $1.442695020e+00, v19  }
0xa4: {  	v21 =	vsub.f32 v24, v18;
	v18 =	vmul.f32 v33, v37;
	(erf) = vpow2.f32 v8;
	v25, _, _ =	vpop (xrf2);
	(xrf2) =	vadd.scan.msk.f32 $0xffff, v22  }
0xa5: {  	v24 =	vsub.f32 $1.000000000e+00, v26;
	v26, _, _ =	vpop (xrf2);
	(erf) = vpow2.f32 v9;
	v9 =	vmul.f32 $1.442695020e+00, v32  }
0xa6: {  	v58 =	vmul.f32 $1.442695020e+00, v23;
	v55, _, _ =	vpop (xrf2);
	(xrf2) =	vadd.scan.msk.f32 $0xffff, v21  }
0xa7: {  	s5 =	simm.f32 $0.0e+00;
	v56 =	vpop (erf);
	(v2sf) =	vpush v55, $0xF;
	(erf) = vpow2.f32 v9;
	v9 =	vsub.f32 $0.0e+00, v18  }
0xa8: {  	v7 =	vsub.f32 s5, v7;
	v8 =	vsub.f32 $0.0e+00, v31;
	v54 =	vmul.f32 $1.442695020e+00, v31;
	v57 =	vpop (erf)  }
0xa9: {  	v59, _, _ =	vpop (xrf2);
	(v2sf) =	vpush v26, $0xF;
	(erf) = vpow2.f32 v58;
	v9 =	vmul.f32 $1.442695020e+00, v9  }
0xaa: {  	v8 =	vmul.f32 $1.442695020e+00, v8;
	v40 =	vpop (erf);
	(v2sf) =	vpush v25, $0xF;
	(erf) = vpow2.f32 v54  }
0xab: {  	v41 =	vsub.f32 $0.0e+00, v32;
	v42 =	vpop (erf);
	(v2sf) =	vpush v59, $0xF  }
0xac: {  	v35 =	vadd.f32 v55, v7;
	v7 =	vmul.f32 $1.000000010e-07, v42;
	(erf) = vpow2.f32 v8  }
0xad: {  	v43 =	vsub.f32 $1.000000000e+00, v10;
	v61 =	vsub.f32 $0.0e+00, v11;
	(erf) = vpow2.f32 v9;
	v9 =	vpop (erf)  }
0xae: {  	v60 =	vmul.f32 $1.442695020e+00, v41;
	v8 =	vsub.f32 v7, v27;
	v7 =	vsub.f32 $0.0e+00, v19;
	v42, _, _ =	vpop (xrf2)  }
0xaf: {  	v63 =	vmul.f32 $1.442695020e+00, v18;
	v27 =	vsub.f32 $0.0e+00, v27;
	v44 =	vpop (erf);
	(v2sf) =	vpush v42, $0xF  }
0xb0: {  	v41 =	vmul.f32 $1.442695020e+00, v61;
	(xrf2) =	vadd.scan.msk.f32 $0xffff, v17;
	(erf) = vpow2.f32 v60;
	v33, _, _ =	vpop (xrf2);
	(v2sf) =	vpush v20, $0xF  }
0xb1: {  	s8 =	sadd.s32 $0x80, s2;
	v10 =	vmul.f32 $1.442695020e+00, v7;
	v27 =	vmul.f32 $1.442695020e+00, v27;
	v45 =	vpop (erf);
	(v2sf) =	vpush v33, $0xF  }
0xb2: {  	s10 =	sadd.s32 $0x80, s4;
	v47 =	vld [tilespmem:s8+$0xFFFFFFF0];
	v48 =	vsub.f32 $0.0e+00, v23;
	(erf) = vpow2.f32 v41;
	v9 =	vmul.f32 $1.000000010e-07, v9;
	v46 =	vpop (erf)  }
0xb3: {  	v50 =	vld [tilespmem:s10+$0x30];
	v30 =	vsub.f32 $1.000000000e+00, v30;
	v7 =	vmul.f32 $1.000000010e-07, v40;
	(erf) = vpow2.f32 v27;
	v49 =	vpop (erf)  }
0xb4: {  	v51 =	vld [tilespmem:s8+$0x20];
	s1 =	simm.s32 $0x141C0;
	v9 =	vsub.f32 v9, v11;
	v46 =	vmul.f32 $1.000000010e-07, v46;
	v11 =	vmul.f32 $1.000000010e-07, v49  }
0xb5: {  	v62 =	vld [tilespmem:s8+$0x30];
	[tilespmem:s1+$0xFFFFFFE0] =	vst v24;
	v7 =	vsub.f32 v7, v28;
	v28 =	vsub.f32 $0.0e+00, v28;
	(erf) = vpow2.f32 v63;
	v24 =	vpop (erf)  }
0xb6: {  	[tilespmem:s1+$0xFFFFFFD0] =	vst v30;
	v30 =	vld [tilespmem:s10+$0x20];
	v46 =	vsub.f32 v46, v23;
	v23 =	vpop (erf);
	v11 =	vsub.f32 v11, v31;
	v31 =	vmul.f32 $1.442695020e+00, v48;
	s6 =	spop (v2sf)  }
0xb7: {  	[tilespmem:s1+$0x0] =	vst v29;
	v29 =	vld [tilespmem:s8+$0xFFFFFFD0];
	(erf) = vpow2.f32 v12;
	v48 =	vsub.f32 $1.000000000e+00, v23;
	v23 =	vmul.f32 $1.442695020e+00, v28;
	s2 =	sadd.f32 s6, s5  }
0xb8: {  	v61 =	vld [tilespmem:s10+$0xFFFFFFE0];
	s7 =	spop (v2sf);
	(erf) = vpow2.f32 v31  }
0xb9: {  	(xrf2) =	vadd.scan.msk.f32 $0xffff, v8;
	v31 =	vld [tilespmem:s10+$0xFFFFFFF0];
	s9 =	spop (v2sf);
	(erf) = vpow2.f32 v23;
	v23 =	vmul.f32 $1.000000010e-07, v44;
	v13 =	vsub.f32 s2, v13;
	s2 =	sadd.f32 s7, s2  }
0xba: {  	v38 =	vsub.f32 $1.000000000e+00, v38;
	v36 =	vsub.f32 $1.000000000e+00, v56;
	v27 =	vld [tilespmem:s8+$0x10];
	v45 =	vmul.f32 $1.000000010e-07, v45;
	(xrf2) =	vadd.scan.msk.f32 $0xffff, v9;
	v49, _, _ =	vpop (xrf2);
	s11 =	spop (v2sf)  }
0xbb: {  	v34 =	vsub.f32 $1.000000000e+00, v57;
	v63 =	vld [tilespmem:s10+$0x10];
	v28 =	vpop (erf);
	v26 =	vadd.f32 v13, v26;
	s4 =	sadd.f32 s11, s2  }
0xbc: {  	v56 =	vld [tilespmem:s8+$0xFFFFFFE0];
	v55 =	vsub.f32 s2, v14;
	v14 =	vsub.f32 v45, v32;
	v45 =	vmul.f32 v51, v30;
	v51 =	vpop (erf)  }
0xbd: {  	v58 =	vld [tilespmem:s10+$0x0];
	v12 =	vmul.f32 v62, v50;
	(xrf2) =	vadd.scan.msk.f32 $0xffff, v11;
	v13 =	vsub.f32 v23, v19;
	v23 =	vpop (erf);
	v15 =	vsub.f32 s4, v15;
	s12 =	sadd.f32 s9, s4  }
0xbe: {  	v60 =	vld [tilespmem:s10+$0xFFFFFFC0];
	(v2sf) =	vpush v49, $0xF;
	v41 =	vsub.f32 $1.000000000e+00, v24;
	(xrf2) =	vadd.scan.msk.f32 $0xffff, v46;
	v24 =	vmul.f32 v47, v31;
	v31 =	vpop (erf);
	s17 =	spop (v2sf)  }
0xbf: {  	v40 =	vld [tilespmem:s8+$0xFFFFFFC0];
	v22 =	vsub.f32 s12, v22;
	v25 =	vadd.f32 v15, v25;
	v15 =	vmul.f32 $1.000000010e-07, v31;
	s2 =	sadd.f32 s17, s12;
	s25 =	spop (v2sf)  }
0xc0: {  	v57 =	vmul.f32 $1.442695020e+00, v12;
	v28 =	vsub.f32 $1.000000000e+00, v28;
	v30 =	vld [tilespmem:s10+$0xFFFFFFD0];
	v19 =	vmul.f32 v27, v63;
	(xrf2) =	vadd.scan.msk.f32 $0xffff, v14;
	s5 =	spop (v2sf)  }
0xc1: {  	v54 =	vld [tilespmem:s8+$0x0];
	v27 =	vmul.f32 $1.442695020e+00, v45;
	v63 =	vadd.f32 v22, v42;
	v42 =	vsub.f32 s2, v21;
	s2 =	sadd.f32 s5, s2  }
0xc2: {  	[tilespmem:s1+$0xFFFFFFF0] =	vst v43;
	(erf) = vpow2.f32 v57;
	v62 =	vmul.f32 $1.442695020e+00, v24;
	s17 =	simm.s32 $0x14240;
	v18 =	vsub.f32 v15, v18  }
0xc3: {  	v52 =	vmul.f32 $1.442695020e+00, v19;
	(erf) = vpow2.f32 v27;
	[tilespmem:s17+$0xFFFFFFE0] =	vst v28;
	v15, _, _ =	vpop (xrf2);
	v28 =	vsub.f32 s2, v16;
	s2 =	sadd.f32 s25, s2  }
0xc4: {  	v59 =	vadd.f32 v55, v59;
	v27 =	vmul.f32 v56, v61;
	(erf) = vpow2.f32 v62;
	v16, _, _ =	vpop (xrf2);
	(xrf2) =	vadd.scan.msk.f32 $0xffff, v18  }
0xc5: {  	[tilespmem:s1+$0x20] =	vst v38;
	v31 =	vmul.f32 v29, v30;
	v29 =	vmul.f32 v40, v60;
	v22 =	vpop (erf);
	v17 =	vsub.f32 s2, v17  }
0xc6: {  	s3 =	simm.s32 $0x16240;
	[tilespmem:s1+$0xFFFFFFC0] =	vst v36;
	v56 =	vmul.f32 $1.442695020e+00, v27;
	v21 =	vmul.f32 v54, v58;
	v53 =	vsub.f32 $1.000000000e+00, v22;
	v30 =	vpop (erf)  }
0xc7: {  	[tilespmem:s3+$0xFFFFFFC0] =	vst v35;
	(erf) = vpow2.f32 v52;
	v22, _, _ =	vpop (xrf2);
	v57 =	vadd.f32 v17, v49;
	v17 =	vmul.f32 $1.442695020e+00, v29  }
0xc8: {  	[tilespmem:s3+$0xFFFFFFD0] =	vst v26;
	v26 =	vmul.f32 $1.442695020e+00, v31;
	v61 =	vsub.f32 $0.0e+00, v21;
	(erf) = vpow2.f32 v56;
	v55, _, _ =	vpop (xrf2)  }
0xc9: {  	[tilespmem:s1+$0x30] =	vst v34;
	v54 =	vsub.f32 $0.0e+00, v31;
	v20 =	vadd.f32 v28, v20;
	v28 =	vpop (erf);
	(erf) = vpow2.f32 v17  }
0xca: {  	[tilespmem:s3+$0xFFFFFFF0] =	vst v25;
	(xrf2) =	vadd.scan.msk.f32 $0xffff, v13;
	v25, _, _ =	vpop (xrf2);
	(erf) = vpow2.f32 v26;
	v26 =	vmul.f32 $1.442695020e+00, v61  }
0xcb: {  	[tilespmem:s3+$0xFFFFFFE0] =	vst v59;
	v36 =	vmul.f32 $1.442695020e+00, v54;
	(v2sf) =	vpush v55, $0xF;
	v59 =	vpop (erf)  }
0xcc: {  	[tilespmem:s17+$0xFFFFFFD0] =	vst v41;
	v17 =	vpop (erf)  }
0xcd: {  	v37 =	vsub.f32 $1.000000000e+00, v51;
	[tilespmem:s17+$0x0] =	vst v48;
	(v2sf) =	vpush v22, $0xF;
	(erf) = vpow2.f32 v36;
	v39 =	vpop (erf)  }
0xce: {  	v60 =	vsub.f32 $0.0e+00, v27;
	s28 =	spop (v2sf);
	(v2sf) =	vpush v16, $0xF;
	(erf) = vpow2.f32 v26;
	v26, _, _ =	vpop (xrf2);
	(xrf2) =	vadd.scan.msk.f32 $0xffff, v7  }
0xcf: {  	s12 =	sadd.f32 s28, s2;
	[tilespmem:s3+$0x20] =	vst v20;
	v20 =	vsub.f32 $0.0e+00, v24;
	(v2sf) =	vpush v25, $0xF;
	v17 =	vmul.f32 $1.000000010e-07, v17  }
0xd0: {  	[tilespmem:s3+$0x0] =	vst v63;
	v62 =	vmul.f32 $1.442695020e+00, v60;
	v63 =	vsub.f32 $0.0e+00, v19;
	v42 =	vadd.f32 v42, v33  }
0xd1: {  	v34 =	vmul.f32 $1.442695020e+00, v21;
	[tilespmem:s1+$0x10] =	vst v53;
	v58 =	vsub.f32 s12, v46;
	v17 =	vsub.f32 v17, v45  }
0xd2: {  	v40 =	vsub.f32 $0.0e+00, v45;
	v33 =	vmul.f32 $1.442695020e+00, v63;
	[tilespmem:s3+$0x10] =	vst v42;
	(erf) = vpow2.f32 v62  }
0xd3: {  	s10 =	sadd.s32 $0x80, s10;
	v32 =	vadd.f32 v55, v58;
	v41 =	vmul.f32 $1.442695020e+00, v20;
	v20 =	vpop (erf);
	(v2sf) =	vpush v26, $0xF;
	(xrf2) =	vadd.scan.msk.f32 $0xffff, v17  }
0xd4: {  	s11 =	sadd.s32 $0x80, s8;
	s8 =	simm.s32 $0x14240;
	s9 =	simm.s32 $0x100;
	[tilespmem:s3+$0x30] =	vst v57;
	v38 =	vmul.f32 $1.000000010e-07, v59;
	v35 =	vmul.f32 $1.000000010e-07, v20;
	v20, _, _ =	vpop (xrf2);
	(v2sf) =	vpush v15, $0xF  }
.LBB2_4:
0xd5: {  	v36 =	vld [tilespmem:s11+$0xFFFFFFC0];
	s9 =	sadd.s32 $0x80, s9;
	v42 =	vpop (erf);
	(erf) = vpow2.f32 v41;
	[tilespmem:s17+$0xFFFFFFF0] =	vst v37;
	v23 =	vsub.f32 $1.000000000e+00, v23;
	(v2sf) =	vpush v20, $0xF;
	s3 =	sadd.s32 $0x80, s3  }
0xd6: {  	v46 =	vmul.f32 $1.000000010e-07, v39;
	v41 =	vld [tilespmem:s11+$0x30];
	p0 =	slt.u32 s9, $0x1F80;
	v42 =	vmul.f32 $1.000000010e-07, v42;
	v37 =	vsub.f32 v38, v12;
	v38 =	vpop (erf)  }
0xd7: {  	v44 =	vsub.f32 $0.0e+00, v29;
	v48 =	vmul.f32 $1.442695020e+00, v40;
	v43 =	vld [tilespmem:s11+$0xFFFFFFF0];
	v38 =	vmul.f32 $1.000000010e-07, v38;
	v45 =	vpop (erf);
	[tilespmem:s17+$0x20] =	vst v23  }
0xd8: {  	v30 =	vsub.f32 $1.000000000e+00, v30;
	v24 =	vsub.f32 v46, v24;
	v23 =	vld [tilespmem:s11+$0x20];
	v45 =	vmul.f32 $1.000000010e-07, v45;
	v39, _, _ =	vpop (xrf2)  }
0xd9: {  	v46 =	vld [tilespmem:s10+$0x30];
	v38 =	vsub.f32 v38, v29;
	v29 =	vpop (erf);
	(erf) = vpow2.f32 v48;
	(v2sf) =	vpush v39, $0xF  }
0xda: {  	v47 =	vld [tilespmem:s11+$0x10];
	v31 =	vsub.f32 v45, v31;
	(xrf2) =	vadd.scan.msk.f32 $0xffff, v24;
	v40 =	vpop (erf);
	(erf) = vpow2.f32 v34;
	[tilespmem:s17+$0xFFFFFFC0] =	vst v30;
	s1 =	spop (v2sf)  }
0xdb: {  	v12 =	vsub.f32 $0.0e+00, v12;
	v34 =	vmul.f32 $1.442695020e+00, v44;
	v30 =	vld [tilespmem:s10+$0x20];
	v44 =	vsub.f32 $1.000000000e+00, v40;
	v40 =	vpop (erf);
	[tilespmem:s3+$0xFFFFFFC0] =	vst v32;
	s1 =	sadd.f32 s1, s12  }
0xdc: {  	v28 =	vsub.f32 $1.000000000e+00, v28;
	v32 =	vld [tilespmem:s11+$0xFFFFFFD0];
	v40 =	vsub.f32 $1.000000000e+00, v40;
	s2 =	spop (v2sf);
	(erf) = vpow2.f32 v10;
	v10 =	vmovc v33  }
0xdd: {  	v48 =	vmul.f32 $1.442695020e+00, v12;
	v45 =	vld [tilespmem:s10+$0xFFFFFFF0];
	(erf) = vpow2.f32 v34;
	(xrf2) =	vadd.scan.msk.f32 $0xffff, v31;
	v49, _, _ =	vpop (xrf2);
	v34 =	vsub.f32 s1, v11;
	s1 =	sadd.f32 s2, s1;
	s2 =	spop (v2sf)  }
0xde: {  	v29 =	vsub.f32 $1.000000000e+00, v29;
	s17 =	sadd.s32 $0x80, s17;
	v11 =	vmov v31;
	v50 =	vld [tilespmem:s10+$0x10];
	v12 =	vmul.f32 v41, v46;
	v33 =	vpop (erf);
	[tilespmem:s8+$0x30] =	vst v28;
	s4 =	spop (v2sf)  }
0xdf: {  	v28 =	vld [tilespmem:s11+$0x0];
	[tilespmem:s17+$0xFFFFFFE0] =	vst v40;
	(erf) = vpow2.f32 v48;
	v22 =	vadd.f32 v34, v22;
	v31 =	vsub.f32 s1, v14;
	s1 =	sadd.f32 s4, s1  }
0xe0: {  	v14 =	vsub.f32 v42, v27;
	v34 =	vld [tilespmem:s11+$0xFFFFFFE0];
	v40 =	vmul.f32 v23, v30;
	v30 =	vmul.f32 $1.442695020e+00, v12;
	(xrf2) =	vadd.scan.msk.f32 $0xffff, v38  }
0xe1: {  	v35 =	vsub.f32 v35, v19;
	v27 =	vld [tilespmem:s10+$0xFFFFFFD0];
	[tilespmem:s3+$0xFFFFFFD0] =	vst v22;
	v22 =	vsub.f32 s1, v9;
	s1 =	sadd.f32 s2, s1;
	v9 =	vmov v24  }
0xe2: {  	v25 =	vadd.f32 v31, v25;
	v24 =	vmul.f32 v43, v45;
	v41 =	vld [tilespmem:s10+$0x0];
	(erf) = vpow2.f32 v30;
	[tilespmem:s17+$0xFFFFFFD0] =	vst v29;
	v23 =	vpop (erf);
	s2 =	spop (v2sf)  }
0xe3: {  	v46 =	vmul.f32 $1.442695020e+00, v40;
	v29 =	vld [tilespmem:s10+$0xFFFFFFC0];
	v19 =	vmul.f32 v47, v50;
	[tilespmem:s17+$0x0] =	vst v44;
	v31 =	vpop (erf);
	v18 =	vsub.f32 s1, v18;
	s1 =	sadd.f32 s2, s1;
	s2 =	spop (v2sf)  }
0xe4: {  	v47 =	vadd.f32 v22, v16;
	v42 =	vld [tilespmem:s10+$0xFFFFFFE0];
	v43 =	vmul.f32 $1.442695020e+00, v24;
	v44 =	vmul.f32 $1.000000010e-07, v31;
	[tilespmem:s3+$0xFFFFFFE0] =	vst v25;
	v16, _, _ =	vpop (xrf2);
	s4 =	spop (v2sf)  }
0xe5: {  	(erf) = vpow2.f32 v46;
	(xrf2) =	vadd.scan.msk.f32 $0xffff, v14;
	v25 =	vadd.f32 v18, v26;
	v45 =	vsub.f32 s1, v13;
	s1 =	sadd.f32 s4, s1;
	v13 =	vpop (erf)  }
0xe6: {  	v26 =	vmul.f32 $1.442695020e+00, v19;
	v31 =	vmul.f32 v32, v27;
	v18 =	vsub.f32 v44, v21;
	v30 =	vpop (erf);
	[tilespmem:s3+$0xFFFFFFF0] =	vst v47  }
0xe7: {  	v21 =	vmul.f32 v28, v41;
	v22, _, _ =	vpop (xrf2);
	[tilespmem:s3+$0x0] =	vst v25;
	v41 =	vsub.f32 $1.000000000e+00, v13;
	v8 =	vsub.f32 s1, v8;
	s1 =	sadd.f32 s2, s1  }
0xe8: {  	v29 =	vmul.f32 v36, v29;
	v25 =	vsub.f32 $0.0e+00, v31;
	(erf) = vpow2.f32 v43;
	(xrf2) =	vadd.scan.msk.f32 $0xffff, v18;
	v28 =	vpop (erf);
	s2 =	spop (v2sf)  }
0xe9: {  	v13 =	vmovc v35;
	v27 =	vmul.f32 v34, v42;
	v34 =	vmul.f32 $1.442695020e+00, v21;
	[tilespmem:s8+$0x10] =	vst v41;
	v32 =	vsub.f32 s1, v7;
	s12 =	sadd.f32 s2, s1;
	v7 =	vmovc v37;
	s8 =	smov.u32 s17  }
0xea: {  	v35 =	vmul.f32 $1.442695020e+00, v31;
	v41 =	vadd.f32 v8, v15;
	(erf) = vpow2.f32 v26;
	v26, _, _ =	vpop (xrf2)  }
0xeb: {  	v36 =	vmul.f32 $1.442695020e+00, v25;
	v43 =	vmul.f32 $1.442695020e+00, v27;
	v42 =	vpop (erf);
	(xrf2) =	vadd.scan.msk.f32 $0xffff, v13;
	v32 =	vadd.f32 v32, v39  }
0xec: {  	v15 =	vmovc v49;
	v37 =	vmul.f32 $1.442695020e+00, v29;
	v38 =	vsub.f32 s12, v38;
	v8 =	vmovc v17;
	(v2sf) =	vpush v26, $0xF;
	[tilespmem:s3+$0x20] =	vst v41  }
0xed: {  	v17 =	vsub.f32 $0.0e+00, v27;
	v39 =	vsub.f32 $0.0e+00, v21;
	(erf) = vpow2.f32 v43;
	[tilespmem:s3+$0x30] =	vst v32  }
0xee: {  	v32 =	vadd.f32 v26, v38;
	(erf) = vpow2.f32 v37;
	v25 =	vpop (erf);
	(v2sf) =	vpush v22, $0xF  }
0xef: {  	v41 =	vmul.f32 $1.000000010e-07, v25;
	(erf) = vpow2.f32 v35;
	v25, _, _ =	vpop (xrf2);
	(v2sf) =	vpush v16, $0xF;
	(xrf2) =	vadd.scan.msk.f32 $0xffff, v7  }
0xf0: {  	v43 =	vmul.f32 $1.442695020e+00, v17;
	v37 =	vmul.f32 $1.442695020e+00, v39;
	(v2sf) =	vpush v25, $0xF  }
.Ltmp4:
0xf1: {  	v38 =	vsub.f32 $0.0e+00, v24;
	v17 =	vsub.f32 v41, v40;
	(erf) = vpow2.f32 v36;
	v39 =	vpop (erf);
	(pc) =	sbr.rel @p0 .LBB2_4-.Ltmp4, $4  }
0xf2: {  	v36 =	vsub.f32 $0.0e+00, v19;
	(erf) = vpow2.f32 v37;
	v37 =	vsub.f32 $1.000000000e+00, v33;
	v26, _, _ =	vpop (xrf2)  }
0xf3: {  	v41 =	vmul.f32 $1.442695020e+00, v38;
	(erf) = vpow2.f32 v43;
	v35 =	vpop (erf);
	v43 =	vadd.f32 v45, v20  }
0xf4: {  	v33 =	vmul.f32 $1.442695020e+00, v36;
	v35 =	vmul.f32 $1.000000010e-07, v35;
	(xrf2) =	vadd.scan.msk.f32 $0xffff, v17;
	(v2sf) =	vpush v26, $0xF  }
0xf5: {  	s11 =	sadd.s32 $0x80, s11;
	s10 =	sadd.s32 $0x80, s10;
	v40 =	vsub.f32 $0.0e+00, v40;
	v38 =	vmul.f32 $1.000000010e-07, v42;
	v20, _, _ =	vpop (xrf2);
	(v2sf) =	vpush v15, $0xF;
	[tilespmem:s3+$0x10] =	vst v43  }
0xf6: {  	_ = 	snop  }
0xf7: {  	v36 =	vmul.f32 $1.442695020e+00, v40  }
0xf8: {  	v47 =	vpop (erf);
	(erf) = vpow2.f32 v41  }
0xf9: {  	v48 =	vpop (erf);
	(erf) = vpow2.f32 v36  }
0xfa: {  	v49 =	vmul.f32 $1.000000010e-07, v39;
	v50 =	vpop (erf);
	(erf) = vpow2.f32 v34  }
0xfb: {  	v51 =	vmul.f32 $1.000000010e-07, v50  }
0xfc: {  	v52 =	vmul.f32 $1.000000010e-07, v48;
	v24 =	vsub.f32 v49, v24  }
0xfd: {  	v31 =	vsub.f32 v51, v31  }
0xfe: {  	v34 =	vsub.f32 v52, v29;
	v53 =	vpop (erf);
	(xrf2) =	vadd.scan.msk.f32 $0xffff, v24  }
0xff: {  	v54 =	vpop (erf);
	(xrf2) =	vadd.scan.msk.f32 $0xffff, v31  }
0x100: {  	v40 =	vmul.f32 $1.000000010e-07, v47;
	v55 =	vpop (erf);
	(xrf2) =	vadd.scan.msk.f32 $0xffff, v34  }
0x101: {  	v42 =	vpop (erf)  }
0x102: {  	v27 =	vsub.f32 v40, v27;
	v56 =	vpop (erf)  }
0x103: {  	v43 =	vpop (erf)  }
0x104: {  	(xrf2) =	vadd.scan.msk.f32 $0xffff, v27;
	v43 =	vmul.f32 $1.000000010e-07, v43  }
0x105: {  	(v2sf) =	vpush v20, $0xF  }
0x106: {  	v44, _, _ =	vpop (xrf2);
	v43 =	vsub.f32 v43, v21  }
0x107: {  	v21, _, _ =	vpop (xrf2)  }
0x108: {  	v19 =	vsub.f32 v35, v19;
	v35, _, _ =	vpop (xrf2);
	(xrf2) =	vadd.scan.msk.f32 $0xffff, v43  }
0x109: {  	(v2sf) =	vpush v44, $0xF;
	v45, _, _ =	vpop (xrf2)  }
0x10a: {  	s1 =	spop (v2sf);
	v46, _, _ =	vpop (xrf2);
	(xrf2) =	vadd.scan.msk.f32 $0xffff, v19  }
0x10b: {  	s1 =	sadd.f32 s1, s12;
	(v2sf) =	vpush v46, $0xF  }
0x10c: {  	s2 =	spop (v2sf)  }
0x10d: {  	s4 =	sadd.f32 s2, s1;
	s25 =	spop (v2sf);
	(v2sf) =	vpush v45, $0xF  }
0x10e: {  	s5 =	spop (v2sf);
	v47, _, _ =	vpop (xrf2);
	(v2sf) =	vpush v35, $0xF  }
0x10f: {  	v38 =	vsub.f32 v38, v12;
	s5 =	sadd.f32 s5, s4;
	(v2sf) =	vpush v47, $0xF;
	_ =	sdelay $0x1  }
0x110: {  	v57 =	vsub.f32 $1.000000000e+00, v23;
	v58 =	vsub.f32 $0.0e+00, v29;
	s6 =	sadd.f32 s25, s5;
	(xrf2) =	vadd.scan.msk.f32 $0xffff, v38  }
0x111: {  	[tilespmem:s17+$0xFFFFFFF0] =	vst v37;
	v59 =	vsub.f32 $1.000000000e+00, v30;
	v28 =	vsub.f32 $1.000000000e+00, v28;
	s28 =	spop (v2sf);
	v60, _, _ =	vpop (xrf2)  }
0x112: {  	v37 =	vsub.f32 $0.0e+00, v12;
	[tilespmem:s17+$0x20] =	vst v57;
	(erf) = vpow2.f32 v10;
	s7 =	sadd.f32 s28, s6;
	s9 =	spop (v2sf);
	(v2sf) =	vpush v60, $0xF  }
0x113: {  	[tilespmem:s17+$0xFFFFFFC0] =	vst v59;
	s2 =	sadd.s32 $0x80, s3;
	v62 =	vsub.f32 s4, v14;
	s3 =	spop (v2sf);
	v14, _, _ =	vpop (xrf2);
	(v2sf) =	vpush v21, $0xF  }
0x114: {  	[tilespmem:s8+$0x30] =	vst v28;
	v63 =	vsub.f32 $1.000000000e+00, v55;
	s4 =	sadd.f32 s3, s7;
	(v2sf) =	vpush v14, $0xF  }
0x115: {  	v48 =	vsub.f32 $1.000000000e+00, v53;
	v61 =	vsub.f32 s1, v11;
	s1 =	sadd.s32 $0x80, s17;
	[tilespmem:s2+$0xFFFFFFC0] =	vst v32;
	v32 =	vmul.f32 $1.442695020e+00, v58  }
0x116: {  	v12 =	vmul.f32 $1.442695020e+00, v37;
	v41 =	vsub.f32 $1.000000000e+00, v54;
	[tilespmem:s1+$0xFFFFFFE0] =	vst v63;
	s10 =	sadd.f32 s9, s4  }
0x117: {  	[tilespmem:s1+$0xFFFFFFD0] =	vst v48;
	v10 =	vadd.f32 v61, v22;
	v9 =	vsub.f32 s5, v9;
	(erf) = vpow2.f32 v32;
	s11 =	spop (v2sf)  }
0x118: {  	[tilespmem:s1+$0x0] =	vst v41;
	v11 =	vadd.f32 v62, v25;
	v49 =	vsub.f32 s6, v18;
	s5 =	sadd.f32 s11, s10  }
0x119: {  	[tilespmem:s2+$0xFFFFFFD0] =	vst v10;
	(erf) = vpow2.f32 v12;
	v9 =	vadd.f32 v9, v16;
	v8 =	vsub.f32 s4, v8;
	s12 =	spop (v2sf)  }
0x11a: {  	[tilespmem:s2+$0xFFFFFFE0] =	vst v11;
	v10 =	vadd.f32 v49, v26;
	v7 =	vsub.f32 s10, v7;
	v52, _, _ =	vpop (xrf2);
	s3 =	sadd.f32 s12, s5  }
0x11b: {  	[tilespmem:s2+$0xFFFFFFF0] =	vst v9;
	v8 =	vadd.f32 v8, v15;
	v50 =	vpop (erf);
	(v2sf) =	vpush v52, $0xF;
	s17 =	spop (v2sf)  }
0x11c: {  	v53 =	vsub.f32 s7, v13;
	[tilespmem:s2+$0x0] =	vst v10;
	v51 =	vsub.f32 $1.000000000e+00, v50;
	s25 =	spop (v2sf);
	s4 =	sadd.f32 s17, s3  }
0x11d: {  	v7 =	vadd.f32 v7, v44;
	[tilespmem:s2+$0x20] =	vst v8;
	s28 =	spop (v2sf)  }
0x11e: {  	(erf) = vpow2.f32 v33;
	v8 =	vadd.f32 v53, v20;
	[tilespmem:s8+$0x10] =	vst v51;
	s7 =	sadd.f32 s28, s4  }
0x11f: {  	[tilespmem:s2+$0x30] =	vst v7;
	v7 =	vsub.f32 $1.000000000e+00, v42  }
0x120: {  	v54 =	vpop (erf);
	v55 =	vsub.f32 s5, v34;
	[tilespmem:s2+$0x10] =	vst v8;
	v8 =	vsub.f32 $1.000000000e+00, v56;
	s8 =	sadd.f32 s25, s7  }
0x121: {  	[tilespmem:s1+$0xFFFFFFF0] =	vst v7;
	v7 =	vsub.f32 $1.000000000e+00, v54;
	s9 =	spop (v2sf)  }
0x122: {  	v10 =	vadd.f32 v46, v55;
	v56 =	vpop (erf);
	[tilespmem:s1+$0x20] =	vst v8;
	v8 =	vsub.f32 s3, v31;
	s10 =	sadd.f32 s9, s8;
	s11 =	spop (v2sf)  }
0x123: {  	s2 =	sadd.s32 $0x80, s2;
	[tilespmem:s1+$0xFFFFFFC0] =	vst v7;
	v7 =	vsub.f32 $1.000000000e+00, v56;
	v57 =	vsub.f32 s4, v27;
	s12 =	spop (v2sf)  }
0x124: {  	[tilespmem:s2+$0xFFFFFFC0] =	vst v10;
	v8 =	vadd.f32 v8, v45;
	v58 =	vsub.f32 s7, v24;
	s4 =	sadd.f32 s12, s10  }
0x125: {  	[tilespmem:s1+$0x30] =	vst v7;
	v7 =	vadd.f32 v57, v47;
	v59 =	vsub.f32 s8, v43  }
0x126: {  	[tilespmem:s2+$0xFFFFFFD0] =	vst v8;
	v8 =	vadd.f32 v58, v35;
	s17 =	sadd.f32 s11, s4  }
0x127: {  	p0 =	slt.s32 s18, s0;
	[tilespmem:s2+$0xFFFFFFE0] =	vst v7;
	v7 =	vadd.f32 v59, v60;
	v60 =	vpop (erf);
	v61 =	vsub.f32 s4, v17  }
0x128: {  	p1 =	sgt.s32 @!p0 s26, s18;
	[tilespmem:s2+$0xFFFFFFF0] =	vst v8;
	v8 =	vsub.f32 $1.000000000e+00, v60;
	v62 =	vsub.f32 s17, v38  }
0x129: {  	p0 =	por p0, !p1;
	v63 =	vsub.f32 s10, v19;
	[tilespmem:s2+$0x0] =	vst v7;
	v7 =	vadd.f32 v61, v21  }
.Ltmp5:
0x12a: {  	[tilespmem:s1+$0x10] =	vst v8;
	s25 =	spop (v2sf);
	v8 =	vadd.f32 v62, v52;
	(pc) =	sbr.rel @!p0 .LBB2_2-.Ltmp5, $4  }
0x12b: {  	s28 =	sadd.f32 s25, s17;
	[tilespmem:s2+$0x20] =	vst v7;
	v7 =	vadd.f32 v63, v14  }
0x12c: {  	[tilespmem:s2+$0x30] =	vst v8  }
0x12d: {  	[tilespmem:s2+$0x10] =	vst v7;
	v7 =	vmov s28  }
0x12e: {  	[tilespmem:v1+s21+$0x0] =	vst.idx.msk $0x1, v7  }
.Ltmp6:
0x12f: {  	(pc) =	sbr.rel .LBB2_7-.Ltmp6, $4  }
0x130: {  	s1 =	sshll.u32 s31, $0x2  }
0x131: {  	s30 =	smul.u32 $0x2010, s30;
	s1 =	ssub.s32 $0x0, s1  }
0x132: {  	s24 =	ssub.s32 $0x0, s31;
	s1 =	sshra.s32 s1, $0x2  }
0x133: {  	s23 =	ssub.s32 s30, s31;
	s17 =	sadd.s32 $0x14190, s1;
	s22 =	sadd.s32 $0x16210, s1  }
.LBB2_13:
0x134: {  	s1 =	ssub.s32 s3, s31  }
0x135: {  	v7 =	vmov s1;
	_ =	sdelay $0x4  }
0x136: {  	v7 =	vld.idx.msk [tilespmem:v7+s21+$0x0], $0xffff;
	_ =	sdelay $0x4  }
0x137: {  	(v2sf) =	vpush v7, $0x0;
	_ =	sdelay $0xd  }
0x138: {  	p1 =	sgt.s32 s26, s0  }
0x139: {  	(xrf2) =	vadd.scan.msk.f32 @!p1 $0xffff, v6;
	s28 =	spop (v2sf)  }
0x13a: {  	(xrf2) =	vadd.scan.msk.f32 @!p1 $0xffff, v5;
	s1 =	sadd.f32 s28, s15  }
0x13b: {  	(xrf2) =	vadd.scan.msk.f32 @!p1 $0xffff, v4  }
0x13c: {  	v7 =	vmov @!p1 s1  }
0x13d: {  	(xrf2) =	vadd.scan.msk.f32 @!p1 $0xffff, v3;
	v7 =	vmul.f32 @!p1 $1.442695020e+00, v7;
	_ =	sdelay $0x1  }
0x13e: {  	v7 =	vbroadcast @!p1 v7, $0x0;
	_ =	sdelay $0x1  }
0x13f: {  	(erf) = vpow2.f32 @!p1 v7;
	_ =	sdelay $0x1  }
0x140: {  	v7, _, _ =	vpop @!p1 (xrf2)  }
0x141: {  	p2 =	sle.s32 s26, s0;
	s2 =	simm.s32 $0x1;
	v8 =	vmov @!p1 s29;
	v9, _, _ =	vpop @!p1 (xrf2)  }
0x142: {  	s2 =	simm.s32 @!p2 $0x0;
	v10 =	vmul.u32 @!p1 $0x3, v8;
	v11, _, _ =	vpop @!p1 (xrf2)  }
0x143: {  	v12 =	vlaneseq.u32 @!p1;
	s29 =	sadd.s32 s2, s29;
	v11 =	vbroadcast @!p1 v11, $0xF  }
0x144: {  	s2 =	sadd.s32 $0x1, s29;
	v10 =	vadd.s32 @!p1 v12, v10;
	v13, _, _ =	vpop @!p1 (xrf2)  }
0x145: {  	v63 =	vmov s2;
	v7 =	vbroadcast @!p1 v7, $0xF;
	v12 =	vbroadcast @!p1 v13, $0xF  }
0x146: {  	vm0 =	vcmask @!p1 $0x3F08;
	s2 =	simm.s32 @!p1 $0x18500;
	v9 =	vbroadcast @!p1 v9, $0xF  }
0x147: {  	[tilespmem:v8+s2+$0x0] =	vst.idx.msk @!p1 $0x1, v7;
	s2 =	simm.s32 @!p1 $0x18700;
	v7 =	vsel @!p1 vm0, v12, v11;
	vm0 =	vcmask @!p1 $0x3F04;
	v11 =	vpop @!p1 (erf)  }
0x148: {  	v7 =	vsel @!p1 vm0, v7, v9;
	[tilespmem:v8+s2+$0x0] =	vst.idx.msk @!p1 $0x1, v11;
	s2 =	simm.s32 @!p1 $0x18900  }
0x149: {  	[tilespmem:v10+s2+$0x0] =	vst.idx.msk @!p1 $0x7, v7  }
0x14a: {  	v7 =	vld.idx.msk [tilespmem:v63+s13+$0x0], $0xffff;
	_ =	sdelay $0x4  }
0x14b: {  	(v2sf) =	vpush v7, $0x0;
	_ =	sdelay $0xe  }
0x14c: {  	s2 =	spop (v2sf)  }
0x14d: {  	s26 =	smov.u32 @p2 s2  }
0x14e: {  	s2 =	simm.f32 @!p1 $0.0e+00;
	p2 =	sle.s32 s26, s3  }
0x14f: {  	s2 =	simm.f32 @p1 $1.000000000e+00;
	p1 =	sgt.s32 s29, $0x1FF;
	p0 =	por p0, p2  }
0x150: {  	p0 =	por p1, !p0  }
.Ltmp7:
0x151: {  	_ = 	snop;
	(pc) =	sbr.rel @p0 .LBB2_14-.Ltmp7, $3  }
0x152: {  	_ =	sdelay $0x1  }
0x153: {  	v6 =	vmul.f32 s2, v6;
	v5 =	vmul.f32 s2, v5  }
0x154: {  	s18 =	smov.u32 s3;
	s15 =	smul.f32 s2, s1;
	v4 =	vmul.f32 s2, v4;
	v3 =	vmul.f32 s2, v3  }
.LBB2_7:
0x155: {  	s1 =	ssub.s32 s18, s31  }
0x156: {  	v7 =	vmov s1;
	_ =	sdelay $0x4  }
0x157: {  	v7 =	vld.idx.msk [tilespmem:v7+s21+$0x0], $0xffff;
	_ =	sdelay $0x4  }
0x158: {  	(v2sf) =	vpush v7, $0x0;
	_ =	sdelay $0x1  }
0x159: {  	p0 =	slt.s32 s26, s0;
	s3 =	smov.u32 s0  }
0x15a: {  	s3 =	smov.u32 @p0 s26  }
0x15b: {  	s2 =	ssub.s32 s3, s18  }
0x15c: {  	s4 =	sadd.s32 $0xF, s2  }
0x15d: {  	s5 =	sand.u32 $0xF, s4  }
0x15e: {  	s25 =	sshra.s32 s4, $0x1F;
	p2 =	slt.s32 s4, $0x1;
	p1 =	sne.s32 s5, $0x0  }
0x15f: {  	s5 =	sshrl.u32 s25, $0x1C;
	p1 =	por !p2, !p1  }
0x160: {  	s4 =	sadd.s32 s5, s4;
	s5 =	simm.s32 $0x1;
	p1 =	por !p1, !p1  }
0x161: {  	s4 =	sshrl.u32 s4, $0x4;
	s5 =	simm.s32 @!p1 $0x0  }
0x162: {  	s4 =	ssub.s32 s4, s5  }
0x163: {  	s8 =	sshll.u32 s4, $0x4  }
0x164: {  	p1 =	slt.s32 s8, $0x20  }
.Ltmp8:
0x165: {  	_ = 	snop;
	(pc) =	sbr.rel @p1 .LBB2_10-.Ltmp8, $3  }
0x166: {  	s28 =	spop (v2sf)  }
0x167: {  	s15 =	ssub.f32 s15, s28;
	_ =	sdelay $0x1  }
0x168: {  	v8 =	vmov s2;
	s9 =	sand.u32 $0xFFFFFFE0, s8;
	v7 =	vmov s15  }
0x169: {  	s2 =	sshll.u32 s18, $0x2  }
0x16a: {  	s2 =	sshra.s32 s2, $0x2  }
0x16b: {  	s5 =	sadd.s32 s2, s17;
	s2 =	sadd.s32 s2, s22  }
0x16c: {  	v9 =	vld [tilespmem:s2+$0x0];
	_ =	sdelay $0x1  }
0x16d: {  	p3 =	sgt.s32 s9, $0x20;
	v10 =	vld [tilespmem:s2+$0xFFFFFFF0]  }
.Ltmp9:
0x16e: {  	s1 =	sadd.s32 s30, s1;
	(pc) =	sbr.rel @!p3 .LBB2_9-.Ltmp9, $4  }
0x16f: {  	s1 =	sshll.u32 s1, $0x2  }
0x170: {  	s6 =	simm.s32 $0x0;
	s25 =	simm.s32 $0x20;
	s1 =	sshra.s32 s1, $0x2;
	v9 =	vadd.f32 v9, v7  }
0x171: {  	p1 =	por $0x0, $0x0;
	p2 =	por $0x0, $0x0;
	s7 =	sadd.s32 $0x10100, s1  }
0x172: {  	s28 =	sadd.s32 $0xC080, s1;
	s1 =	sadd.s32 $0x8000, s1;
	s4 =	sadd.s32 $0x20, s2;
	v12 =	vadd.f32 v10, v7;
	v9 =	vmul.f32 $1.442695020e+00, v9  }
0x173: {  	v10 =	vld [tilespmem:s4+$0x0];
	_ =	sdelay $0x1  }
0x174: {  	v11 =	vld [tilespmem:s4+$0xFFFFFFF0];
	p3 =	sgt.s32 s9, $0x40  }
.Ltmp10:
0x175: {  	_ = 	snop;
	(pc) =	sbr.rel @!p3 .LBB2_16-.Ltmp10, $4  }
0x176: {  	_ = 	snop  }
0x177: {  	v17 =	vld [tilespmem:s1+$0x10];
	v12 =	vmul.f32 $1.442695020e+00, v12;
	v13 =	vadd.f32 v10, v7  }
0x178: {  	(erf) = vpow2.f32 v9;
	v10 =	vld [tilespmem:s5+$0x0]  }
0x179: {  	s2 =	simm.s32 $0x40;
	s4 =	sadd.s32 $0x20, s4;
	p1 =	por $0x1, $0x1;
	(erf) = vpow2.f32 v12;
	v12 =	vadd.f32 v11, v7;
	v11 =	vld [tilespmem:s5+$0xFFFFFFF0];
	v9 =	vmul.f32 $1.442695020e+00, v13  }
0x17a: {  	_ =	sdelay $0x2  }
0x17b: {  	v13 =	vld [tilespmem:s4+$0x0];
	_ =	sdelay $0x1  }
0x17c: {  	v16 =	vld [tilespmem:s1+$0x0]  }
0x17d: {  	v19 =	vld [tilespmem:s28+$0x0];
	v12 =	vmul.f32 $1.442695020e+00, v12  }
0x17e: {  	v25 =	vld [tilespmem:s4+$0xFFFFFFF0];
	v14 =	vpop (erf);
	(erf) = vpow2.f32 v9  }
0x17f: {  	v21 =	vld [tilespmem:s7+$0x0];
	s10 =	simm.s32 $0x10;
	v18 =	vor.u32 s6, v2;
	p3 =	sgt.s32 s9, $0x60;
	v13 =	vadd.f32 v13, v7;
	v9 =	vpop (erf);
	(erf) = vpow2.f32 v12  }
.Ltmp11:
0x180: {  	v15 =	vld [tilespmem:s28+$0x10];
	v20 =	vor.u32 s10, v2;
	v10 =	vmul.f32 v14, v10;
	v11 =	vmul.f32 v9, v11;
	(pc) =	sbr.rel @!p3 .LBB2_18-.Ltmp11, $4  }
0x181: {  	s12 =	sadd.s32 $0x20, s1;
	vm0 =	vlt.s32 v18, v8;
	v18 =	vld [tilespmem:s7+$0x10];
	vm1 =	vlt.s32 v20, v8  }
0x182: {  	s14 =	sadd.s32 $0x20, s5;
	v24 =	vld [tilespmem:s12+$0x10];
	v9 =	vmul.f32 $1.442695020e+00, v13;
	v14 =	vnsel vm1, $0x0, v10;
	v20 =	vnsel vm0, $0x0, v11  }
0x183: {  	s6 =	simm.s32 $0x60;
	s4 =	sadd.s32 $0x20, s4;
	v12 =	vadd.f32 v25, v7;
	v13 =	vmovc v6;
	v10 =	vld [tilespmem:s14+$0x0];
	v22 =	vmul.f32 v14, v17;
	v23 =	vmul.f32 v20, v16  }
0x184: {  	p2 =	por $0x1, $0x1;
	s11 =	smov.u32 s28;
	s10 =	smov.u32 s7;
	v11 =	vld [tilespmem:s14+$0xFFFFFFF0];
	v25 =	vmul.f32 v20, v19;
	v26 =	vmul.f32 v20, v21;
	v16 =	vmovc v5;
	v19 =	vmovc v4;
	v21 =	vmov v3  }
.LBB2_19:
0x185: {  	v17 =	vld [tilespmem:s4+$0x0];
	v13 =	vadd.f32 v20, v13;
	v16 =	vadd.f32 v23, v16;
	v15 =	vmul.f32 v14, v15  }
0x186: {  	s11 =	sadd.s32 $0x20, s11;
	v23 =	vld [tilespmem:s12+$0x0];
	v19 =	vadd.f32 v25, v19;
	v20 =	vadd.f32 v26, v21;
	v18 =	vmul.f32 v14, v18  }
0x187: {  	s10 =	sadd.s32 $0x20, s10;
	v12 =	vmul.f32 $1.442695020e+00, v12;
	v25 =	vld [tilespmem:s11+$0x0];
	v26 =	vpop (erf);
	v13 =	vadd.f32 v14, v13;
	v16 =	vadd.f32 v22, v16  }
0x188: {  	s19 =	sadd.s32 $0x10, s25;
	(erf) = vpow2.f32 v9;
	v27 =	vld [tilespmem:s10+$0x0];
	v9 =	vpop (erf);
	v19 =	vadd.f32 v15, v19;
	v21 =	vadd.f32 v18, v20  }
0x189: {  	(erf) = vpow2.f32 v12;
	v12 =	vor.u32 s25, v2;
	s25 =	smov.u32 s2;
	s2 =	smov.u32 s6;
	s6 =	sadd.s32 $0x20, s6  }
0x18a: {  	v14 =	vor.u32 s19, v2;
	v22 =	vmov v24;
	v28 =	vld [tilespmem:s4+$0xFFFFFFF0];
	p3 =	slt.s32 s6, s9  }
.Ltmp12:
0x18b: {  	v10 =	vmul.f32 v26, v10;
	v11 =	vmul.f32 v9, v11;
	v17 =	vadd.f32 v17, v7;
	v15 =	vld [tilespmem:s11+$0x10];
	(pc) =	sbr.rel @p3 .LBB2_19-.Ltmp12, $4  }
0x18c: {  	s12 =	sadd.s32 $0x20, s12;
	vm1 =	vlt.s32 v14, v8;
	vm0 =	vlt.s32 v12, v8;
	v18 =	vld [tilespmem:s10+$0x10]  }
0x18d: {  	s14 =	sadd.s32 $0x20, s14;
	v14 =	vnsel vm1, $0x0, v10;
	v20 =	vnsel vm0, $0x0, v11;
	v9 =	vmul.f32 $1.442695020e+00, v17;
	v24 =	vld [tilespmem:s12+$0x10]  }
0x18e: {  	v22 =	vmul.f32 v14, v22;
	v23 =	vmul.f32 v20, v23;
	v10 =	vld [tilespmem:s14+$0x0]  }
0x18f: {  	s4 =	sadd.s32 $0x20, s4;
	v25 =	vmul.f32 v20, v25;
	v26 =	vmul.f32 v20, v27;
	v12 =	vadd.f32 v28, v7;
	v11 =	vld [tilespmem:s14+$0xFFFFFFF0]  }
0x190: {  	_ =	sdelay $0x1  }
0x191: {  	s6 =	smov.u32 s2;
	v17 =	vmov v24  }
.LBB2_21:
0x192: {  	v13 =	vadd.f32 @p2 v20, v13;
	v16 =	vadd.f32 @p2 v23, v16;
	v15 =	vmul.f32 @p2 v14, v15  }
0x193: {  	s2 =	sadd.s32 @p2 $0x20, s11;
	s4 =	smov.u32 s28;
	v19 =	vadd.f32 @p2 v25, v19;
	v21 =	vadd.f32 @p2 v26, v21;
	v18 =	vmul.f32 @p2 v14, v18  }
0x194: {  	v20 =	vld @p1 [tilespmem:s12+$0x0];
	v23 =	vpop @p1 (erf);
	v12 =	vmul.f32 $1.442695020e+00, v12;
	(erf) = vpow2.f32 v9;
	v58 =	vor.u32 s6, v2;
	s4 =	smov.u32 @p2 s2  }
0x195: {  	s2 =	sadd.s32 @p2 $0x20, s10;
	s10 =	smov.u32 s7;
	v10 =	vmul.f32 @p1 v23, v10;
	vm14 =	vlt.s32 v58, v8;
	v24 =	vld @p1 [tilespmem:s4+$0x0];
	v13 =	vadd.f32 @p2 v14, v13  }
0x196: {  	v14 =	vadd.f32 @p2 v22, v16;
	s10 =	smov.u32 @p2 s2;
	s2 =	sadd.s32 @p1 $0x10, s25;
	v22 =	vor.u32 @p1 s25, v2;
	v23 =	vld @p1 [tilespmem:s4+$0x10];
	v18 =	vadd.f32 @p2 v18, v21;
	s25 =	sadd.s32 $0x10, s6  }
0x197: {  	v9 =	vld @p1 [tilespmem:s10+$0x0];
	vm0 =	vlt.s32 @p1 v22, v8;
	v59 =	vor.u32 s25, v2;
	v16 =	vpop @p1 (erf);
	(erf) = vpow2.f32 v12  }
0x198: {  	v12 =	vadd.f32 @p2 v15, v19;
	v13 =	vpsel p2, v13, v6;
	v11 =	vmul.f32 @p1 v16, v11  }
0x199: {  	v14 =	vpsel p2, v14, v5;
	v18 =	vpsel p2, v18, v3;
	v16 =	vor.u32 @p1 s2, v2;
	s2 =	sadd.s32 @p1 $0x20, s14  }
0x19a: {  	vm1 =	vlt.s32 @p1 v16, v8;
	v16 =	vld @p1 [tilespmem:s10+$0x10];
	s5 =	smov.u32 @p1 s2;
	v12 =	vpsel p2, v12, v4;
	v11 =	vnsel @p1 vm0, $0x0, v11  }
0x19b: {  	v15 =	vmovc @p1 v17;
	s2 =	sadd.s32 @p1 $0x20, s12;
	v10 =	vnsel @p1 vm1, $0x0, v10;
	v51 =	vld [tilespmem:s5+$0x0];
	v21 =	vpsel p1, v23, v0;
	v17 =	vmul.f32 @p1 v11, v20  }
0x19c: {  	s1 =	smov.u32 @p1 s2;
	v52 =	vld [tilespmem:s5+$0xFFFFFFF0];
	v19 =	vmul.f32 @p1 v11, v24;
	v9 =	vmul.f32 @p1 v11, v9;
	v11 =	vpsel p1, v11, v0  }
0x19d: {  	s2 =	sadd.s32 @p1 $0x20, s4;
	v15 =	vmul.f32 @p1 v10, v15;
	v10 =	vpsel p1, v10, v0;
	v53 =	vld [tilespmem:s1+$0x10];
	v11 =	vadd.f32 @p1 v11, v13  }
0x19e: {  	v54 =	vld [tilespmem:s1+$0x0];
	s28 =	smov.u32 @p1 s2;
	s1 =	sadd.s32 @p1 $0x20, s10;
	v17 =	vpsel p1, v17, v0;
	v19 =	vpsel p1, v19, v0;
	v9 =	vpsel p1, v9, v0  }
0x19f: {  	v55 =	vld [tilespmem:s28+$0x0];
	s7 =	smov.u32 @p1 s1;
	v15 =	vpsel p1, v15, v0;
	v16 =	vpsel p1, v16, v0;
	v13 =	vadd.f32 @p1 v17, v14  }
0x1a0: {  	v56 =	vpop (erf);
	v61 =	vld [tilespmem:s7+$0x10];
	v17 =	vmul.f32 @p1 v10, v21;
	v12 =	vadd.f32 @p1 v19, v12;
	v9 =	vadd.f32 @p1 v9, v18  }
0x1a1: {  	v16 =	vmul.f32 @p1 v10, v16;
	v10 =	vadd.f32 @p1 v10, v11;
	v11 =	vld [tilespmem:s7+$0x0];
	v19 =	vmul.f32 v56, v51;
	v57 =	vpop (erf)  }
0x1a2: {  	vm15 =	vlt.s32 v59, v8;
	v13 =	vadd.f32 @p1 v15, v13;
	v21 =	vmul.f32 v57, v52  }
0x1a3: {  	v60 =	vld [tilespmem:s28+$0x10];
	v12 =	vadd.f32 @p1 v17, v12;
	v19 =	vnsel vm15, $0x0, v19;
	v9 =	vadd.f32 @p1 v16, v9  }
0x1a4: {  	v6 =	vpsel p1, v10, v6;
	v63 =	vmul.f32 v19, v53;
	v62 =	vnsel vm14, $0x0, v21  }
0x1a5: {  	v5 =	vpsel p1, v13, v5;
	v10 =	vmul.f32 v19, v61;
	v14 =	vmul.f32 v62, v54  }
0x1a6: {  	v4 =	vpsel p1, v12, v4;
	v18 =	vmul.f32 v62, v55;
	v11 =	vmul.f32 v62, v11  }
0x1a7: {  	v3 =	vpsel p1, v9, v3;
	v6 =	vadd.f32 v62, v6;
	v5 =	vadd.f32 v14, v5  }
0x1a8: {  	v9 =	vmul.f32 v19, v60;
	v4 =	vadd.f32 v18, v4;
	v3 =	vadd.f32 v11, v3  }
0x1a9: {  	v6 =	vadd.f32 v19, v6;
	v5 =	vadd.f32 v63, v5  }
0x1aa: {  	v4 =	vadd.f32 v9, v4;
	v3 =	vadd.f32 v10, v3  }
.LBB2_10:
0x1ab: {  	p1 =	seq.s32 s9, s8  }
.Ltmp13:
0x1ac: {  	_ = 	snop;
	(pc) =	sbr.rel @p1 .LBB2_13-.Ltmp13, $1  }
0x1ad: {  	_ =	sdelay $0x3  }
0x1ae: {  	s1 =	sadd.s32 s18, s24  }
0x1af: {  	s1 =	sadd.s32 s9, s1  }
0x1b0: {  	s1 =	sshll.u32 s1, $0x2  }
0x1b1: {  	s2 =	sadd.s32 s18, s23;
	s1 =	sshra.s32 s1, $0x2  }
0x1b2: {  	s2 =	sadd.s32 s9, s2;
	s4 =	sadd.s32 $0x16200, s1  }
0x1b3: {  	s2 =	sshll.u32 s2, $0x2;
	v9 =	vmov s4  }
0x1b4: {  	s2 =	sshra.s32 s2, $0x2;
	s1 =	sadd.s32 $0x14180, s1  }
0x1b5: {  	s5 =	sadd.s32 $0x8000, s2;
	s6 =	sadd.s32 $0xC080, s2;
	s2 =	sadd.s32 $0x10100, s2;
	v10 =	vmov s1  }
0x1b6: {  	s1 =	simm.s32 $0x0;
	v11 =	vmov s5;
	v12 =	vmov s6;
	v13 =	vmov s2  }
.LBB2_12:
0x1b7: {  	s2 =	sshra.s32 s1, $0x2  }
0x1b8: {  	v14 =	vld.idx.msk [tilespmem:v9+s2+$0x0 ss:$0x1], $0xffff;
	_ =	sdelay $0x4  }
0x1b9: {  	v14 =	vadd.f32 v14, v7;
	_ =	sdelay $0x1  }
0x1ba: {  	v14 =	vmul.f32 $1.442695020e+00, v14;
	_ =	sdelay $0x1  }
0x1bb: {  	(erf) = vpow2.f32 v14;
	_ =	sdelay $0x4  }
0x1bc: {  	v14 =	vld.idx.msk [tilespmem:v10+s2+$0x0 ss:$0x1], $0xffff;
	_ =	sdelay $0x1  }
0x1bd: {  	v15 =	vld.idx.msk [tilespmem:v11+s2+$0x0 ss:$0x1], $0xffff  }
0x1be: {  	v16 =	vld.idx.msk [tilespmem:v12+s2+$0x0 ss:$0x1], $0xffff  }
0x1bf: {  	v18 =	vld.idx.msk [tilespmem:v13+s2+$0x0 ss:$0x1], $0xffff;
	v17 =	vpop (erf)  }
0x1c0: {  	v62 =	vor.u32 s9, v2;
	s9 =	sadd.s32 $0x10, s9;
	v14 =	vmul.f32 v17, v14  }
0x1c1: {  	vm0 =	vlt.s32 v62, v8;
	p1 =	slt.s32 s9, s8  }
.Ltmp14:
0x1c2: {  	v14 =	vnsel vm0, $0x0, v14;
	(pc) =	sbr.rel @p1 .LBB2_12-.Ltmp14, $4  }
0x1c3: {  	v15 =	vmul.f32 v14, v15  }
0x1c4: {  	v16 =	vmul.f32 v14, v16;
	v63 =	vmul.f32 v14, v18  }
0x1c5: {  	v6 =	vadd.f32 v14, v6;
	v5 =	vadd.f32 v15, v5  }
0x1c6: {  	s1 =	sadd.s32 $0x40, s1;
	v4 =	vadd.f32 v16, v4;
	v3 =	vadd.f32 v63, v3  }
.Ltmp15:
0x1c7: {  	_ = 	snop;
	(pc) =	sbr.rel .LBB2_13-.Ltmp15, $1  }
0x1c8: {  	_ =	sdelay $0x3  }
.LBB2_9:
.Ltmp16:
0x1c9: {  	(pc) =	sbr.rel .LBB2_21-.Ltmp16, $3  }
0x1ca: {  	_ =	sdelay $0x1  }
0x1cb: {  	s12 =	smov.u32 s1  }
0x1cc: {  	v13 =	vmovc v6;
	v16 =	vmov v5;
	v19 =	vmov v4;
	v21 =	vmov v3;
	s11 =	smov.u32 s28;
	s10 =	smov.u32 s7;
	s14 =	smov.u32 s5  }
.LBB2_16:
.Ltmp17:
0x1cd: {  	(pc) =	sbr.rel .LBB2_21-.Ltmp17, $3  }
0x1ce: {  	_ =	sdelay $0x1  }
0x1cf: {  	s12 =	smov.u32 s1;
	s11 =	smov.u32 s28;
	s10 =	smov.u32 s7  }
0x1d0: {  	v13 =	vmovc v6;
	v16 =	vmov v5;
	v19 =	vmov v4;
	v21 =	vmov v3;
	s25 =	simm.s32 $0x0;
	s6 =	simm.s32 $0x20;
	s14 =	smov.u32 s5  }
.LBB2_18:
.Ltmp18:
0x1d1: {  	(pc) =	sbr.rel .LBB2_21-.Ltmp18, $2  }
0x1d2: {  	_ =	sdelay $0x2  }
0x1d3: {  	v13 =	vmovc v6;
	v16 =	vmovc v5;
	v19 =	vmov v4;
	v21 =	vmov v3;
	s11 =	smov.u32 s28;
	s10 =	smov.u32 s7;
	s6 =	simm.s32 $0x40;
	v17 =	vmov v24  }
.LBB2_23:
0x1d4: {  	_ =	sfence.sel $0x180000  }
0x1d5: {  	[bflag:$0x0] =	sbarrier.arrive $0xFFFF  }
0x1d6: {  	_ =	strace $0x90000047  }
0x1d7: {  	s0 =	stileid.u32;
	[bflag:$0x2] =	sbarrier.arrive $0xFFFF  }
0x1d8: {  	p0 =	sne.s32 s0, $0x0;
	s0 =	rddreg [dreg:$0x6]  }
0x1d9: {  	s0 =	sadd.s32 @!p0 $0x100000, s0  }
0x1da: {  	[sflag:s0] =	ssyncadd.tile.s32 @!p0 $0x1;
	_ =	shalt  }
.Lfunc_end2:
_tile_overlayer_lowered:
.L_overlay_start_2:
0x1db: {  	(tag) =	ssettag $0x2  }
0x1dc: {  	s0 =	rddreg [dreg:$0x0];
	s2 =	stileid.u32  }
0x1dd: {  	s1 =	rddreg [dreg:$0x1];
	p0 =	sne.s32 s2, $0x0  }
0x1de: {  	s3 =	rddreg [dreg:$0x2];
	[bflag:$0x3] =	sbarrier.arrive $0xFFFF;
	s2 =	simm.s32 @!p0 $0x1C03  }
0x1df: {  	[timem:s3], [sflag:s2] =	dma.local @!p0 [hbm:s0], s1  }
0x1e0: {  	s0 =	simm.s32 @!p0 $0x3  }
0x1e1: {  	_ =	swait.ge @!p0 [sflag:s0], s1  }
0x1e2: {  	s1 =	ssub.s32 @!p0 $0x0, s1;
	[sflag:s0] =	ssyncset.done @!p0 $0x0  }
0x1e3: {  	[sflag:s0] =	ssyncadd.s32 @!p0 s1  }
0x1e4: {  	[bflag:$0x3] =	sbarrier.arrive $0xFFFF  }
0x1e5: {  	_ =	shalt  }

</sc_bundles>
